<compile_context>
chip_gen: v7x
topology: tpu7x:2x2x1
jax: 0.10.2.dev20260603
libtpu: 0.0.44.dev20260713+nightly
codegen_flags: <defaults>
</compile_context>

<pallas_src>
import dataclasses

import jax
import jax.numpy as jnp
from jax import lax
from jax.experimental import pallas as pl
from jax.experimental.pallas import tpu as pltpu
from jax.experimental.pallas import tpu_sc as plsc

N_NODE = 10000
N_EDGE = 320000
D = 128
N_TILES = 16
EDGE_PER_TILE = N_EDGE // N_TILES
CHUNK = 128
GRP = 40
SLABS = 4
N_CHUNK = SLABS * GRP
PAD = N_CHUNK * CHUNK - EDGE_PER_TILE
ROWS = 10240
RPT = ROWS // N_TILES


def _sc_body(feat_hbm, src_hbm, dst_hbm, zrow_hbm, zcnt_hbm, ones_hbm,
             sums_hbm, cntw_hbm,
             acc_sh, cnt_sh, src_sl, dst_sl, rows0, rows1, ones_v, cnt_t,
             sg0, sg1, sa0, sa1, sc_sem):
    c = lax.axis_index("c")
    s = lax.axis_index("s")
    w = c * N_TILES + s
    rows = (rows0, rows1)
    sg = (sg0, sg1)
    sa = (sa0, sa1)

    def gather_start(j, b):
        pltpu.async_copy(feat_hbm.at[src_sl.at[j]], rows[b], sg[b])

    def gather_wait(b):
        pltpu.make_async_copy(feat_hbm.at[src_sl.at[0]], rows[b], sg[b]).wait()

    def rowadd_start(j, b):
        pltpu.async_copy(rows[b], acc_sh.at[dst_sl.at[j]], sa[b], add=True)

    def rowadd_wait(b):
        pltpu.make_async_copy(rows[b], acc_sh.at[dst_sl.at[0]], sa[b]).wait()

    def cnt_start(j):
        pltpu.async_copy(ones_v, cnt_sh.at[dst_sl.at[j]], sc_sem, add=True)

    def cnt_wait():
        pltpu.make_async_copy(ones_v, cnt_sh.at[dst_sl.at[0]], sc_sem).wait()

    pltpu.sync_copy(zrow_hbm, acc_sh.at[pl.ds(RPT * s, RPT)])
    pltpu.sync_copy(zcnt_hbm, cnt_sh.at[pl.ds(RPT * s, RPT)])
    pltpu.sync_copy(ones_hbm, ones_v)
    plsc.subcore_barrier()

    @pl.loop(0, SLABS)
    def _(slab):
        @pl.when(slab > 0)
        def _():
            rowadd_wait(0)
            rowadd_wait(1)

            @pl.loop(0, GRP)
            def _(_j):
                cnt_wait()

        base_chunk = (w * SLABS + slab) * GRP
        pltpu.sync_copy(src_hbm.at[pl.ds(base_chunk, GRP)], src_sl)
        pltpu.sync_copy(dst_hbm.at[pl.ds(base_chunk, GRP)], dst_sl)
        gather_start(0, 0)
        gather_start(1, 1)

        @pl.loop(0, GRP // 2)
        def _(jj):
            for b in range(2):
                j = jj * 2 + b
                gather_wait(b)
                rowadd_start(j, b)
                cnt_start(j)

                @pl.when(j < GRP - 2)
                def _():
                    rowadd_wait(b)
                    gather_start(j + 2, b)

    rowadd_wait(0)
    rowadd_wait(1)

    @pl.loop(0, GRP)
    def _(_j):
        cnt_wait()

    plsc.subcore_barrier()

    base = c * ROWS + RPT * s
    pltpu.sync_copy(acc_sh.at[pl.ds(RPT * s, RPT)], sums_hbm.at[pl.ds(base, RPT)])

    row_t = rows0
    pltpu.sync_copy(cnt_sh.at[pl.ds(RPT * s, RPT)], cnt_t)
    pltpu.sync_copy(zrow_hbm.at[pl.ds(0, CHUNK)], row_t)
    lane0 = jnp.zeros((16,), jnp.int32)

    @pl.loop(0, RPT // CHUNK)
    def _(k):
        @pl.loop(0, CHUNK // 16)
        def _(g):
            v16 = cnt_t[pl.ds(k * CHUNK + g * 16, 16)]
            ridx = lax.iota(jnp.int32, 16) + g * 16
            plsc.store_scatter(row_t, [ridx, lane0], v16)
        pltpu.sync_copy(row_t, cntw_hbm.at[pl.ds(base + CHUNK * k, CHUNK)])


def _tc_body(s_ref, c_ref, w_ref, b_ref, o_ref):
    sums = s_ref[0]
    cnt = c_ref[0][:, 0:1]
    mean = sums * (1.0 / jnp.maximum(cnt, 1.0))
    h = jnp.dot(mean, w_ref[0], preferred_element_type=jnp.float32)
    o_ref[0] = h + jnp.where(cnt > 0.0, 1.0, 0.0) * b_ref[0]


def _prep_idx(src, dst, src_off):
    src = src.astype(jnp.int32).reshape(N_TILES, EDGE_PER_TILE) + src_off
    dst = dst.astype(jnp.int32).reshape(N_TILES, EDGE_PER_TILE)
    spread = jnp.arange(PAD, dtype=jnp.int32) % 8
    pad_src = jnp.tile(spread[None, :], (N_TILES, 1)) + src_off
    pad_dst = jnp.tile((N_NODE + spread)[None, :], (N_TILES, 1))
    src = jnp.concatenate([src, pad_src], axis=1).reshape(-1, CHUNK)
    dst = jnp.concatenate([dst, pad_dst], axis=1).reshape(-1, CHUNK)
    return src, dst


def kernel(feat_user, feat_item, W_uc, b_uc, W_ic, b_ic,
           src_uc, dst_uc, src_ic, dst_ic):
    feats = jnp.concatenate([feat_user, feat_item], axis=0)
    src0, dst0 = _prep_idx(src_uc, dst_uc, 0)
    src1, dst1 = _prep_idx(src_ic, dst_ic, N_NODE)
    src_all = jnp.concatenate([src0, src1], axis=0)
    dst_all = jnp.concatenate([dst0, dst1], axis=0)

    zrow = jnp.zeros((RPT, D), jnp.float32)
    zcnt = jnp.zeros((RPT,), jnp.float32)
    ones = jnp.ones((CHUNK,), jnp.float32)

    mesh = plsc.VectorSubcoreMesh(core_axis_name="c", subcore_axis_name="s")
    cp = pltpu.CompilerParams()
    if "needs_layout_passes" in pltpu.CompilerParams.__dataclass_fields__:
        cp = dataclasses.replace(cp, needs_layout_passes=False)
    sc_agg = pl.kernel(
        _sc_body,
        compiler_params=cp,
        out_type=(jax.ShapeDtypeStruct((2 * ROWS, D), jnp.float32),
                  jax.ShapeDtypeStruct((2 * ROWS, D), jnp.float32)),
        mesh=mesh,
        scratch_types=[
            pltpu.VMEM_SHARED((ROWS, D), jnp.float32),
            pltpu.VMEM_SHARED((ROWS,), jnp.float32),
            pltpu.VMEM((GRP, CHUNK), jnp.int32),
            pltpu.VMEM((GRP, CHUNK), jnp.int32),
            pltpu.VMEM((CHUNK, D), jnp.float32),
            pltpu.VMEM((CHUNK, D), jnp.float32),
            pltpu.VMEM((CHUNK,), jnp.float32),
            pltpu.VMEM((RPT,), jnp.float32),
            pltpu.SemaphoreType.DMA,
            pltpu.SemaphoreType.DMA,
            pltpu.SemaphoreType.DMA,
            pltpu.SemaphoreType.DMA,
            pltpu.SemaphoreType.DMA,
        ],
    )
    sums, cntw = sc_agg(feats, src_all, dst_all, zrow, zcnt, ones)

    sums3 = sums.reshape(2, ROWS, D)
    cntw3 = cntw.reshape(2, ROWS, D)
    W3 = jnp.stack([W_uc, W_ic])
    b3 = jnp.stack([b_uc, b_ic]).reshape(2, 1, D)

    h = pl.pallas_call(
        _tc_body,
        grid=(2,),
        in_specs=[
            pl.BlockSpec((1, ROWS, D), lambda r: (r, 0, 0)),
            pl.BlockSpec((1, ROWS, D), lambda r: (r, 0, 0)),
            pl.BlockSpec((1, D, D), lambda r: (r, 0, 0)),
            pl.BlockSpec((1, 1, D), lambda r: (r, 0, 0)),
        ],
        out_specs=pl.BlockSpec((1, ROWS, D), lambda r: (r, 0, 0)),
        out_shape=jax.ShapeDtypeStruct((2, ROWS, D), jnp.float32),
    )(sums3, cntw3, W3, b3)

    h_item = h[0, :N_NODE]
    h_user = h[1, :N_NODE]
    return (h_user, h_item)

# --- scband reference (transcript-rebuilt; emitter-appended) ---
"""Pipeline reference for scband-hetero-graph-conv-layer-41205916238557 (READ-ONLY COPY).

The authoritative reference and input builder live on the scoring server;
editing this copy changes nothing except your own understanding.
"""

import jax, jax.numpy as jnp
import numpy as np

N_USER = 10000
N_ITEM = 10000
E = 320000
D_IN = 128
D_OUT = 128


def setup_inputs(seed: int = 0) -> dict:
    key = jax.random.key(seed)
    ks = jax.random.split(key, 10)
    feat_user = jax.random.normal(ks[0], (N_USER, D_IN), dtype=jnp.float32)
    feat_item = jax.random.normal(ks[1], (N_ITEM, D_IN), dtype=jnp.float32)
    # Linear weights for each canonical etype (user-clicks-item, item-clicked_by-user)
    W_uc = jax.random.normal(ks[2], (D_IN, D_OUT), dtype=jnp.float32) * 0.05
    b_uc = jax.random.normal(ks[3], (D_OUT,), dtype=jnp.float32) * 0.05
    W_ic = jax.random.normal(ks[4], (D_IN, D_OUT), dtype=jnp.float32) * 0.05
    b_ic = jax.random.normal(ks[5], (D_OUT,), dtype=jnp.float32) * 0.05
    # Edge lists: user->item for etype 'clicks', item->user for etype 'clicked_by'
    src_uc = jax.random.randint(ks[6], (E,), 0, N_USER, dtype=jnp.int64)
    dst_uc = jax.random.randint(ks[7], (E,), 0, N_ITEM, dtype=jnp.int64)
    src_ic = jax.random.randint(ks[8], (E,), 0, N_ITEM, dtype=jnp.int64)
    dst_ic = jax.random.randint(ks[9], (E,), 0, N_USER, dtype=jnp.int64)
    return {
        "feat_user": feat_user,
        "feat_item": feat_item,
        "W_uc": W_uc,
        "b_uc": b_uc,
        "W_ic": W_ic,
        "b_ic": b_ic,
        "src_uc": src_uc,
        "dst_uc": dst_uc,
        "src_ic": src_ic,
        "dst_ic": dst_ic,
    }


def _relation_mean(Wh_src, src, dst, n_dst):
    # copy_u(message) + mean reduce per destination node (DGL fn.copy_u / fn.mean)
    msg = jnp.take(Wh_src, src, axis=0)
    s = jax.ops.segment_sum(msg, dst, num_segments=n_dst)
    cnt = jax.ops.segment_sum(jnp.ones((src.shape[0],), dtype=jnp.float32), dst, num_segments=n_dst)
    return s / jnp.maximum(cnt, 1.0)[:, None]


def reference(feat_user, feat_item, W_uc, b_uc, W_ic, b_ic, src_uc, dst_uc, src_ic, dst_ic):
    # Per-etype linear transform of source-node features
    Wh_user = feat_user @ W_uc + b_uc   # messages along user-clicks-item
    Wh_item = feat_item @ W_ic + b_ic   # messages along item-clicked_by-user
    # multi_update_all with per-etype mean reduce, cross-etype 'sum'
    # (each ntype here receives from exactly one etype, so sum is identity)
    h_item = _relation_mean(Wh_user, src_uc, dst_uc, N_ITEM)
    h_user = _relation_mean(Wh_item, src_ic, dst_ic, N_USER)
    return (h_user, h_item)

if __name__ == "__main__":
    import jax
    _d = setup_inputs()
    print(jax.jit(kernel)(*tuple(_d.values())))

</pallas_src>

<mosaic_0001>
#map = affine_map<(d0, d1) -> (0, 0)>
#map1 = affine_map<(d0, d1) -> (0)>
module attributes {stable_mosaic.version = 14 : i64} {
  func.func @_sc_body(%arg0: i32, %arg1: i32, %arg2: memref<20000x128xf32, #tpu.memory_space<hbm>>, %arg3: memref<5120x128xi32, #tpu.memory_space<hbm>>, %arg4: memref<5120x128xi32, #tpu.memory_space<hbm>>, %arg5: memref<640x128xf32, #tpu.memory_space<hbm>>, %arg6: memref<640xf32, #tpu.memory_space<hbm>>, %arg7: memref<128xf32, #tpu.memory_space<hbm>>, %arg8: memref<20480x128xf32, #tpu.memory_space<hbm>>, %arg9: memref<20480x128xf32, #tpu.memory_space<hbm>>, %arg10: memref<10240x128xf32, #tpu.memory_space<vmem_shared>>, %arg11: memref<10240xf32, #tpu.memory_space<vmem_shared>>, %arg12: memref<40x128xi32, #tpu.memory_space<vmem>>, %arg13: memref<40x128xi32, #tpu.memory_space<vmem>>, %arg14: memref<128x128xf32, #tpu.memory_space<vmem>>, %arg15: memref<128x128xf32, #tpu.memory_space<vmem>>, %arg16: memref<128xf32, #tpu.memory_space<vmem>>, %arg17: memref<640xf32, #tpu.memory_space<vmem>>, %arg18: memref<!tpu.dma_semaphore, #tpu.memory_space<semaphore_mem>>, %arg19: memref<!tpu.dma_semaphore, #tpu.memory_space<semaphore_mem>>, %arg20: memref<!tpu.dma_semaphore, #tpu.memory_space<semaphore_mem>>, %arg21: memref<!tpu.dma_semaphore, #tpu.memory_space<semaphore_mem>>, %arg22: memref<!tpu.dma_semaphore, #tpu.memory_space<semaphore_mem>>) attributes {dimension_semantics = [#tpu.dimension_semantics<core_parallel>, #tpu.dimension_semantics<subcore_parallel>], iteration_bounds = array<i64: 2, 16>, scalar_prefetch = 0 : i64, scratch_operands = 13 : i64, tpu.core_type = #tpu.core_type<sc_vector_subcore>, window_params = [{transform_indices = #map}, {transform_indices = #map}, {transform_indices = #map}, {transform_indices = #map}, {transform_indices = #map1}, {transform_indices = #map1}, {transform_indices = #map}, {transform_indices = #map}]} {
    %mul3A = arith.constant 16 : i32
    %mul3A_0 = arith.muli %arg0, %mul3A : i32
    %add3A = arith.addi %mul3A_0, %arg1 : i32
    %mul3A_1 = arith.constant 640 : i32
    %mul3A_2 = arith.muli %mul3A_1, %arg1 : i32
    "tpu.region"() ({
      %run_scoped3A = tpu.sem_alloc : memref<!tpu.dma_semaphore, #tpu.memory_space<semaphore_mem>>
      %dma_start3A = arith.constant 0 : i32
      %dma_start3A_43 = tpu.memref_slice %arg10[%mul3A_2, %dma_start3A] : memref<10240x128xf32, #tpu.memory_space<vmem_shared>> -> memref<640x128xf32, #tpu.memory_space<vmem_shared>>
      tpu.enqueue_dma source(%arg5 : memref<640x128xf32, #tpu.memory_space<hbm>>) target(%dma_start3A_43 : memref<640x128xf32, #tpu.memory_space<vmem_shared>>) target_semaphore(%run_scoped3A : memref<!tpu.dma_semaphore, #tpu.memory_space<semaphore_mem>>)
      %dma_wait3A_44 = arith.constant 0 : i32
      %dma_wait3A_45 = tpu.memref_slice %arg10[%mul3A_2, %dma_wait3A_44] : memref<10240x128xf32, #tpu.memory_space<vmem_shared>> -> memref<640x128xf32, #tpu.memory_space<vmem_shared>>
      tpu.wait_dma2 semaphore(%run_scoped3A : memref<!tpu.dma_semaphore, #tpu.memory_space<semaphore_mem>>) src(%arg5 : memref<640x128xf32, #tpu.memory_space<hbm>>) dst(%dma_wait3A_45 : memref<640x128xf32, #tpu.memory_space<vmem_shared>>)
      tpu.yield
    }) : () -> ()
    %mul3A_3 = arith.constant 640 : i32
    %mul3A_4 = arith.muli %mul3A_3, %arg1 : i32
    "tpu.region"() ({
      %run_scoped3A = tpu.sem_alloc : memref<!tpu.dma_semaphore, #tpu.memory_space<semaphore_mem>>
      %dma_start3A = tpu.memref_slice %arg11[%mul3A_4] : memref<10240xf32, #tpu.memory_space<vmem_shared>> -> memref<640xf32, #tpu.memory_space<vmem_shared>>
      tpu.enqueue_dma source(%arg6 : memref<640xf32, #tpu.memory_space<hbm>>) target(%dma_start3A : memref<640xf32, #tpu.memory_space<vmem_shared>>) target_semaphore(%run_scoped3A : memref<!tpu.dma_semaphore, #tpu.memory_space<semaphore_mem>>)
      %dma_wait3A_43 = tpu.memref_slice %arg11[%mul3A_4] : memref<10240xf32, #tpu.memory_space<vmem_shared>> -> memref<640xf32, #tpu.memory_space<vmem_shared>>
      tpu.wait_dma2 semaphore(%run_scoped3A : memref<!tpu.dma_semaphore, #tpu.memory_space<semaphore_mem>>) src(%arg6 : memref<640xf32, #tpu.memory_space<hbm>>) dst(%dma_wait3A_43 : memref<640xf32, #tpu.memory_space<vmem_shared>>)
      tpu.yield
    }) : () -> ()
    "tpu.region"() ({
      %run_scoped3A = tpu.sem_alloc : memref<!tpu.dma_semaphore, #tpu.memory_space<semaphore_mem>>
      tpu.enqueue_dma source(%arg7 : memref<128xf32, #tpu.memory_space<hbm>>) target(%arg16 : memref<128xf32, #tpu.memory_space<vmem>>) target_semaphore(%run_scoped3A : memref<!tpu.dma_semaphore, #tpu.memory_space<semaphore_mem>>)
      tpu.wait_dma2 semaphore(%run_scoped3A : memref<!tpu.dma_semaphore, #tpu.memory_space<semaphore_mem>>) src(%arg7 : memref<128xf32, #tpu.memory_space<hbm>>) dst(%arg16 : memref<128xf32, #tpu.memory_space<vmem>>)
      tpu.yield
    }) : () -> ()
    %barrier3A = arith.constant 0 : index
    tpu.barrier barrier_id(%barrier3A)
    %scan3A = arith.constant 0 : i32
    %scan3A_5 = arith.constant 4 : i32
    %scan3A_6 = arith.addi %scan3A, %scan3A_5 : i32
    %scan3A_7 = arith.constant 1 : i32
    scf.for %scan3A_43 = %scan3A to %scan3A_6 step %scan3A_7  : i32 {
      %mul3A_44 = arith.constant 1 : i32
      %mul3A_45 = arith.muli %scan3A_43, %mul3A_44 : i32
      %add3A_46 = arith.constant 0 : i32
      %add3A_47 = arith.addi %add3A_46, %mul3A_45 : i32
      %gt3A = arith.constant 0 : i32
      %gt3A_48 = arith.cmpi sgt, %add3A_47, %gt3A : i32
      %convert_element_type3A = arith.extui %gt3A_48 : i1 to i32
      %cond3A = arith.constant 0 : i32
      %cond3A_49 = arith.cmpi ne, %convert_element_type3A, %cond3A : i32
      scf.if %cond3A_49 {
        %dma_wait3A_73 = arith.constant 0 : i32
        %dma_wait3A_74 = arith.constant 0 : i32
        %dma_wait3A_75 = tpu.memref_slice %arg13[%dma_wait3A_73, %dma_wait3A_74] : memref<40x128xi32, #tpu.memory_space<vmem>> -> memref<1x128xi32, #tpu.memory_space<vmem>>
        %dma_wait3A_76 = tpu.memref_squeeze %dma_wait3A_75 : memref<1x128xi32, #tpu.memory_space<vmem>> -> memref<128xi32, #tpu.memory_space<vmem>>
        %dma_wait3A_77 = arith.constant 0 : i32
        %dma_wait3A_78 = arith.constant 0 : i32
        %dma_wait3A_79 = tpu.memref_slice %arg10[%dma_wait3A_77, %dma_wait3A_78] : memref<10240x128xf32, #tpu.memory_space<vmem_shared>> -> memref<10240x128xf32, #tpu.memory_space<vmem_shared>>
        tpu.wait_indirect_dma semaphore(%arg20 : memref<!tpu.dma_semaphore, #tpu.memory_space<semaphore_mem>>) src(%arg14 : memref<128x128xf32, #tpu.memory_space<vmem>>) dst(%dma_wait3A_79 : memref<10240x128xf32, #tpu.memory_space<vmem_shared>>)
        %dma_wait3A_80 = arith.constant 0 : i32
        %dma_wait3A_81 = arith.constant 0 : i32
        %dma_wait3A_82 = tpu.memref_slice %arg13[%dma_wait3A_80, %dma_wait3A_81] : memref<40x128xi32, #tpu.memory_space<vmem>> -> memref<1x128xi32, #tpu.memory_space<vmem>>
        %dma_wait3A_83 = tpu.memref_squeeze %dma_wait3A_82 : memref<1x128xi32, #tpu.memory_space<vmem>> -> memref<128xi32, #tpu.memory_space<vmem>>
        %dma_wait3A_84 = arith.constant 0 : i32
        %dma_wait3A_85 = arith.constant 0 : i32
        %dma_wait3A_86 = tpu.memref_slice %arg10[%dma_wait3A_84, %dma_wait3A_85] : memref<10240x128xf32, #tpu.memory_space<vmem_shared>> -> memref<10240x128xf32, #tpu.memory_space<vmem_shared>>
        tpu.wait_indirect_dma semaphore(%arg21 : memref<!tpu.dma_semaphore, #tpu.memory_space<semaphore_mem>>) src(%arg15 : memref<128x128xf32, #tpu.memory_space<vmem>>) dst(%dma_wait3A_86 : memref<10240x128xf32, #tpu.memory_space<vmem_shared>>)
        %scan3A_87 = arith.constant 0 : i32
        %scan3A_88 = arith.constant 40 : i32
        %scan3A_89 = arith.addi %scan3A_87, %scan3A_88 : i32
        %scan3A_90 = arith.constant 1 : i32
        scf.for %scan3A_92 = %scan3A_87 to %scan3A_89 step %scan3A_90  : i32 {
          %mul3A_93 = arith.constant 1 : i32
          %mul3A_94 = arith.muli %scan3A_92, %mul3A_93 : i32
          %add3A_95 = arith.constant 0 : i32
          %add3A_96 = arith.addi %add3A_95, %mul3A_94 : i32
          %dma_wait3A_97 = arith.constant 0 : i32
          %dma_wait3A_98 = arith.constant 0 : i32
          %dma_wait3A_99 = tpu.memref_slice %arg13[%dma_wait3A_97, %dma_wait3A_98] : memref<40x128xi32, #tpu.memory_space<vmem>> -> memref<1x128xi32, #tpu.memory_space<vmem>>
          %dma_wait3A_100 = tpu.memref_squeeze %dma_wait3A_99 : memref<1x128xi32, #tpu.memory_space<vmem>> -> memref<128xi32, #tpu.memory_space<vmem>>
          %dma_wait3A_101 = arith.constant 0 : i32
          %dma_wait3A_102 = tpu.memref_slice %arg11[%dma_wait3A_101] : memref<10240xf32, #tpu.memory_space<vmem_shared>> -> memref<10240xf32, #tpu.memory_space<vmem_shared>>
          tpu.wait_indirect_dma semaphore(%arg22 : memref<!tpu.dma_semaphore, #tpu.memory_space<semaphore_mem>>) src(%arg16 : memref<128xf32, #tpu.memory_space<vmem>>) dst(%dma_wait3A_102 : memref<10240xf32, #tpu.memory_space<vmem_shared>>)
        }
        %scan3A_91 = arith.constant 40 : i32
      } else {
      }
      %mul3A_50 = arith.constant 4 : i32
      %mul3A_51 = arith.muli %add3A, %mul3A_50 : i32
      %add3A_52 = arith.addi %mul3A_51, %add3A_47 : i32
      %mul3A_53 = arith.constant 40 : i32
      %mul3A_54 = arith.muli %add3A_52, %mul3A_53 : i32
      "tpu.region"() ({
        %run_scoped3A = tpu.sem_alloc : memref<!tpu.dma_semaphore, #tpu.memory_space<semaphore_mem>>
        %dma_start3A_73 = arith.constant 0 : i32
        %dma_start3A_74 = tpu.memref_slice %arg3[%mul3A_54, %dma_start3A_73] : memref<5120x128xi32, #tpu.memory_space<hbm>> -> memref<40x128xi32, #tpu.memory_space<hbm>>
        %dma_start3A_75 = arith.constant 0 : i32
        %dma_start3A_76 = tpu.memref_slice %arg3[%mul3A_54, %dma_start3A_75] : memref<5120x128xi32, #tpu.memory_space<hbm>> -> memref<40x128xi32, #tpu.memory_space<hbm>>
        tpu.enqueue_dma source(%dma_start3A_76 : memref<40x128xi32, #tpu.memory_space<hbm>>) target(%arg12 : memref<40x128xi32, #tpu.memory_space<vmem>>) target_semaphore(%run_scoped3A : memref<!tpu.dma_semaphore, #tpu.memory_space<semaphore_mem>>)
        %dma_wait3A_77 = arith.constant 0 : i32
        %dma_wait3A_78 = tpu.memref_slice %arg3[%mul3A_54, %dma_wait3A_77] : memref<5120x128xi32, #tpu.memory_space<hbm>> -> memref<40x128xi32, #tpu.memory_space<hbm>>
        %dma_wait3A_79 = arith.constant 0 : i32
        %dma_wait3A_80 = tpu.memref_slice %arg3[%mul3A_54, %dma_wait3A_79] : memref<5120x128xi32, #tpu.memory_space<hbm>> -> memref<40x128xi32, #tpu.memory_space<hbm>>
        tpu.wait_dma2 semaphore(%run_scoped3A : memref<!tpu.dma_semaphore, #tpu.memory_space<semaphore_mem>>) src(%dma_wait3A_80 : memref<40x128xi32, #tpu.memory_space<hbm>>) dst(%arg12 : memref<40x128xi32, #tpu.memory_space<vmem>>)
        tpu.yield
      }) : () -> ()
      "tpu.region"() ({
        %run_scoped3A = tpu.sem_alloc : memref<!tpu.dma_semaphore, #tpu.memory_space<semaphore_mem>>
        %dma_start3A_73 = arith.constant 0 : i32
        %dma_start3A_74 = tpu.memref_slice %arg4[%mul3A_54, %dma_start3A_73] : memref<5120x128xi32, #tpu.memory_space<hbm>> -> memref<40x128xi32, #tpu.memory_space<hbm>>
        %dma_start3A_75 = arith.constant 0 : i32
        %dma_start3A_76 = tpu.memref_slice %arg4[%mul3A_54, %dma_start3A_75] : memref<5120x128xi32, #tpu.memory_space<hbm>> -> memref<40x128xi32, #tpu.memory_space<hbm>>
        tpu.enqueue_dma source(%dma_start3A_76 : memref<40x128xi32, #tpu.memory_space<hbm>>) target(%arg13 : memref<40x128xi32, #tpu.memory_space<vmem>>) target_semaphore(%run_scoped3A : memref<!tpu.dma_semaphore, #tpu.memory_space<semaphore_mem>>)
        %dma_wait3A_77 = arith.constant 0 : i32
        %dma_wait3A_78 = tpu.memref_slice %arg4[%mul3A_54, %dma_wait3A_77] : memref<5120x128xi32, #tpu.memory_space<hbm>> -> memref<40x128xi32, #tpu.memory_space<hbm>>
        %dma_wait3A_79 = arith.constant 0 : i32
        %dma_wait3A_80 = tpu.memref_slice %arg4[%mul3A_54, %dma_wait3A_79] : memref<5120x128xi32, #tpu.memory_space<hbm>> -> memref<40x128xi32, #tpu.memory_space<hbm>>
        tpu.wait_dma2 semaphore(%run_scoped3A : memref<!tpu.dma_semaphore, #tpu.memory_space<semaphore_mem>>) src(%dma_wait3A_80 : memref<40x128xi32, #tpu.memory_space<hbm>>) dst(%arg13 : memref<40x128xi32, #tpu.memory_space<vmem>>)
        tpu.yield
      }) : () -> ()
      %dma_start3A = arith.constant 0 : i32
      %dma_start3A_55 = arith.constant 0 : i32
      %dma_start3A_56 = tpu.memref_slice %arg12[%dma_start3A, %dma_start3A_55] : memref<40x128xi32, #tpu.memory_space<vmem>> -> memref<1x128xi32, #tpu.memory_space<vmem>>
      %dma_start3A_57 = tpu.memref_squeeze %dma_start3A_56 : memref<1x128xi32, #tpu.memory_space<vmem>> -> memref<128xi32, #tpu.memory_space<vmem>>
      %dma_start3A_58 = arith.constant 0 : i32
      %dma_start3A_59 = arith.constant 0 : i32
      %dma_start3A_60 = tpu.memref_slice %arg2[%dma_start3A_58, %dma_start3A_59] : memref<20000x128xf32, #tpu.memory_space<hbm>> -> memref<20000x128xf32, #tpu.memory_space<hbm>>
      tpu.enqueue_indirect_dma source(%dma_start3A_60 : memref<20000x128xf32, #tpu.memory_space<hbm>>) target(%arg14 : memref<128x128xf32, #tpu.memory_space<vmem>>) offsets(%dma_start3A_57 : memref<128xi32, #tpu.memory_space<vmem>>) semaphore(%arg18 : memref<!tpu.dma_semaphore, #tpu.memory_space<semaphore_mem>>)
      %dma_start3A_61 = arith.constant 1 : i32
      %dma_start3A_62 = arith.constant 0 : i32
      %dma_start3A_63 = tpu.memref_slice %arg12[%dma_start3A_61, %dma_start3A_62] : memref<40x128xi32, #tpu.memory_space<vmem>> -> memref<1x128xi32, #tpu.memory_space<vmem>>
      %dma_start3A_64 = tpu.memref_squeeze %dma_start3A_63 : memref<1x128xi32, #tpu.memory_space<vmem>> -> memref<128xi32, #tpu.memory_space<vmem>>
      %dma_start3A_65 = arith.constant 0 : i32
      %dma_start3A_66 = arith.constant 0 : i32
      %dma_start3A_67 = tpu.memref_slice %arg2[%dma_start3A_65, %dma_start3A_66] : memref<20000x128xf32, #tpu.memory_space<hbm>> -> memref<20000x128xf32, #tpu.memory_space<hbm>>
      tpu.enqueue_indirect_dma source(%dma_start3A_67 : memref<20000x128xf32, #tpu.memory_space<hbm>>) target(%arg15 : memref<128x128xf32, #tpu.memory_space<vmem>>) offsets(%dma_start3A_64 : memref<128xi32, #tpu.memory_space<vmem>>) semaphore(%arg19 : memref<!tpu.dma_semaphore, #tpu.memory_space<semaphore_mem>>)
      %scan3A_68 = arith.constant 0 : i32
      %scan3A_69 = arith.constant 20 : i32
      %scan3A_70 = arith.addi %scan3A_68, %scan3A_69 : i32
      %scan3A_71 = arith.constant 1 : i32
      scf.for %scan3A_73 = %scan3A_68 to %scan3A_70 step %scan3A_71  : i32 {
        %mul3A_74 = arith.constant 1 : i32
        %mul3A_75 = arith.muli %scan3A_73, %mul3A_74 : i32
        %add3A_76 = arith.constant 0 : i32
        %add3A_77 = arith.addi %add3A_76, %mul3A_75 : i32
        %mul3A_78 = arith.constant 2 : i32
        %mul3A_79 = arith.muli %add3A_77, %mul3A_78 : i32
        %add3A_80 = arith.constant 0 : i32
        %add3A_81 = arith.addi %mul3A_79, %add3A_80 : i32
        %dma_wait3A_82 = arith.constant 0 : i32
        %dma_wait3A_83 = arith.constant 0 : i32
        %dma_wait3A_84 = tpu.memref_slice %arg12[%dma_wait3A_82, %dma_wait3A_83] : memref<40x128xi32, #tpu.memory_space<vmem>> -> memref<1x128xi32, #tpu.memory_space<vmem>>
        %dma_wait3A_85 = tpu.memref_squeeze %dma_wait3A_84 : memref<1x128xi32, #tpu.memory_space<vmem>> -> memref<128xi32, #tpu.memory_space<vmem>>
        %dma_wait3A_86 = arith.constant 0 : i32
        %dma_wait3A_87 = arith.constant 0 : i32
        %dma_wait3A_88 = tpu.memref_slice %arg2[%dma_wait3A_86, %dma_wait3A_87] : memref<20000x128xf32, #tpu.memory_space<hbm>> -> memref<20000x128xf32, #tpu.memory_space<hbm>>
        tpu.wait_indirect_dma semaphore(%arg18 : memref<!tpu.dma_semaphore, #tpu.memory_space<semaphore_mem>>) src(%dma_wait3A_88 : memref<20000x128xf32, #tpu.memory_space<hbm>>) dst(%arg14 : memref<128x128xf32, #tpu.memory_space<vmem>>)
        %dma_start3A_89 = arith.constant 0 : i32
        %dma_start3A_90 = tpu.memref_slice %arg13[%add3A_81, %dma_start3A_89] : memref<40x128xi32, #tpu.memory_space<vmem>> -> memref<1x128xi32, #tpu.memory_space<vmem>>
        %dma_start3A_91 = tpu.memref_squeeze %dma_start3A_90 : memref<1x128xi32, #tpu.memory_space<vmem>> -> memref<128xi32, #tpu.memory_space<vmem>>
        %dma_start3A_92 = arith.constant 0 : i32
        %dma_start3A_93 = arith.constant 0 : i32
        %dma_start3A_94 = tpu.memref_slice %arg10[%dma_start3A_92, %dma_start3A_93] : memref<10240x128xf32, #tpu.memory_space<vmem_shared>> -> memref<10240x128xf32, #tpu.memory_space<vmem_shared>>
        tpu.enqueue_indirect_dma source(%arg14 : memref<128x128xf32, #tpu.memory_space<vmem>>) target(%dma_start3A_94 : memref<10240x128xf32, #tpu.memory_space<vmem_shared>>) offsets(%dma_start3A_91 : memref<128xi32, #tpu.memory_space<vmem>>) semaphore(%arg20 : memref<!tpu.dma_semaphore, #tpu.memory_space<semaphore_mem>>) {add = true}
        %dma_start3A_95 = arith.constant 0 : i32
        %dma_start3A_96 = tpu.memref_slice %arg13[%add3A_81, %dma_start3A_95] : memref<40x128xi32, #tpu.memory_space<vmem>> -> memref<1x128xi32, #tpu.memory_space<vmem>>
        %dma_start3A_97 = tpu.memref_squeeze %dma_start3A_96 : memref<1x128xi32, #tpu.memory_space<vmem>> -> memref<128xi32, #tpu.memory_space<vmem>>
        %dma_start3A_98 = arith.constant 0 : i32
        %dma_start3A_99 = tpu.memref_slice %arg11[%dma_start3A_98] : memref<10240xf32, #tpu.memory_space<vmem_shared>> -> memref<10240xf32, #tpu.memory_space<vmem_shared>>
        tpu.enqueue_indirect_dma source(%arg16 : memref<128xf32, #tpu.memory_space<vmem>>) target(%dma_start3A_99 : memref<10240xf32, #tpu.memory_space<vmem_shared>>) offsets(%dma_start3A_97 : memref<128xi32, #tpu.memory_space<vmem>>) semaphore(%arg22 : memref<!tpu.dma_semaphore, #tpu.memory_space<semaphore_mem>>) {add = true}
        %lt3A = arith.constant 38 : i32
        %lt3A_100 = arith.cmpi slt, %add3A_81, %lt3A : i32
        %convert_element_type3A_101 = arith.extui %lt3A_100 : i1 to i32
        %cond3A_102 = arith.constant 0 : i32
        %cond3A_103 = arith.cmpi ne, %convert_element_type3A_101, %cond3A_102 : i32
        scf.if %cond3A_103 {
          %dma_wait3A_131 = arith.constant 0 : i32
          %dma_wait3A_132 = arith.constant 0 : i32
          %dma_wait3A_133 = tpu.memref_slice %arg13[%dma_wait3A_131, %dma_wait3A_132] : memref<40x128xi32, #tpu.memory_space<vmem>> -> memref<1x128xi32, #tpu.memory_space<vmem>>
          %dma_wait3A_134 = tpu.memref_squeeze %dma_wait3A_133 : memref<1x128xi32, #tpu.memory_space<vmem>> -> memref<128xi32, #tpu.memory_space<vmem>>
          %dma_wait3A_135 = arith.constant 0 : i32
          %dma_wait3A_136 = arith.constant 0 : i32
          %dma_wait3A_137 = tpu.memref_slice %arg10[%dma_wait3A_135, %dma_wait3A_136] : memref<10240x128xf32, #tpu.memory_space<vmem_shared>> -> memref<10240x128xf32, #tpu.memory_space<vmem_shared>>
          tpu.wait_indirect_dma semaphore(%arg20 : memref<!tpu.dma_semaphore, #tpu.memory_space<semaphore_mem>>) src(%arg14 : memref<128x128xf32, #tpu.memory_space<vmem>>) dst(%dma_wait3A_137 : memref<10240x128xf32, #tpu.memory_space<vmem_shared>>)
          %add3A_138 = arith.constant 2 : i32
          %add3A_139 = arith.addi %add3A_81, %add3A_138 : i32
          %dma_start3A_140 = arith.constant 0 : i32
          %dma_start3A_141 = tpu.memref_slice %arg12[%add3A_139, %dma_start3A_140] : memref<40x128xi32, #tpu.memory_space<vmem>> -> memref<1x128xi32, #tpu.memory_space<vmem>>
          %dma_start3A_142 = tpu.memref_squeeze %dma_start3A_141 : memref<1x128xi32, #tpu.memory_space<vmem>> -> memref<128xi32, #tpu.memory_space<vmem>>
          %dma_start3A_143 = arith.constant 0 : i32
          %dma_start3A_144 = arith.constant 0 : i32
          %dma_start3A_145 = tpu.memref_slice %arg2[%dma_start3A_143, %dma_start3A_144] : memref<20000x128xf32, #tpu.memory_space<hbm>> -> memref<20000x128xf32, #tpu.memory_space<hbm>>
          tpu.enqueue_indirect_dma source(%dma_start3A_145 : memref<20000x128xf32, #tpu.memory_space<hbm>>) target(%arg14 : memref<128x128xf32, #tpu.memory_space<vmem>>) offsets(%dma_start3A_142 : memref<128xi32, #tpu.memory_space<vmem>>) semaphore(%arg18 : memref<!tpu.dma_semaphore, #tpu.memory_space<semaphore_mem>>)
        } else {
        }
        %mul3A_104 = arith.constant 2 : i32
        %mul3A_105 = arith.muli %add3A_77, %mul3A_104 : i32
        %add3A_106 = arith.constant 1 : i32
        %add3A_107 = arith.addi %mul3A_105, %add3A_106 : i32
        %dma_wait3A_108 = arith.constant 0 : i32
        %dma_wait3A_109 = arith.constant 0 : i32
        %dma_wait3A_110 = tpu.memref_slice %arg12[%dma_wait3A_108, %dma_wait3A_109] : memref<40x128xi32, #tpu.memory_space<vmem>> -> memref<1x128xi32, #tpu.memory_space<vmem>>
        %dma_wait3A_111 = tpu.memref_squeeze %dma_wait3A_110 : memref<1x128xi32, #tpu.memory_space<vmem>> -> memref<128xi32, #tpu.memory_space<vmem>>
        %dma_wait3A_112 = arith.constant 0 : i32
        %dma_wait3A_113 = arith.constant 0 : i32
        %dma_wait3A_114 = tpu.memref_slice %arg2[%dma_wait3A_112, %dma_wait3A_113] : memref<20000x128xf32, #tpu.memory_space<hbm>> -> memref<20000x128xf32, #tpu.memory_space<hbm>>
        tpu.wait_indirect_dma semaphore(%arg19 : memref<!tpu.dma_semaphore, #tpu.memory_space<semaphore_mem>>) src(%dma_wait3A_114 : memref<20000x128xf32, #tpu.memory_space<hbm>>) dst(%arg15 : memref<128x128xf32, #tpu.memory_space<vmem>>)
        %dma_start3A_115 = arith.constant 0 : i32
        %dma_start3A_116 = tpu.memref_slice %arg13[%add3A_107, %dma_start3A_115] : memref<40x128xi32, #tpu.memory_space<vmem>> -> memref<1x128xi32, #tpu.memory_space<vmem>>
        %dma_start3A_117 = tpu.memref_squeeze %dma_start3A_116 : memref<1x128xi32, #tpu.memory_space<vmem>> -> memref<128xi32, #tpu.memory_space<vmem>>
        %dma_start3A_118 = arith.constant 0 : i32
        %dma_start3A_119 = arith.constant 0 : i32
        %dma_start3A_120 = tpu.memref_slice %arg10[%dma_start3A_118, %dma_start3A_119] : memref<10240x128xf32, #tpu.memory_space<vmem_shared>> -> memref<10240x128xf32, #tpu.memory_space<vmem_shared>>
        tpu.enqueue_indirect_dma source(%arg15 : memref<128x128xf32, #tpu.memory_space<vmem>>) target(%dma_start3A_120 : memref<10240x128xf32, #tpu.memory_space<vmem_shared>>) offsets(%dma_start3A_117 : memref<128xi32, #tpu.memory_space<vmem>>) semaphore(%arg21 : memref<!tpu.dma_semaphore, #tpu.memory_space<semaphore_mem>>) {add = true}
        %dma_start3A_121 = arith.constant 0 : i32
        %dma_start3A_122 = tpu.memref_slice %arg13[%add3A_107, %dma_start3A_121] : memref<40x128xi32, #tpu.memory_space<vmem>> -> memref<1x128xi32, #tpu.memory_space<vmem>>
        %dma_start3A_123 = tpu.memref_squeeze %dma_start3A_122 : memref<1x128xi32, #tpu.memory_space<vmem>> -> memref<128xi32, #tpu.memory_space<vmem>>
        %dma_start3A_124 = arith.constant 0 : i32
        %dma_start3A_125 = tpu.memref_slice %arg11[%dma_start3A_124] : memref<10240xf32, #tpu.memory_space<vmem_shared>> -> memref<10240xf32, #tpu.memory_space<vmem_shared>>
        tpu.enqueue_indirect_dma source(%arg16 : memref<128xf32, #tpu.memory_space<vmem>>) target(%dma_start3A_125 : memref<10240xf32, #tpu.memory_space<vmem_shared>>) offsets(%dma_start3A_123 : memref<128xi32, #tpu.memory_space<vmem>>) semaphore(%arg22 : memref<!tpu.dma_semaphore, #tpu.memory_space<semaphore_mem>>) {add = true}
        %lt3A_126 = arith.constant 38 : i32
        %lt3A_127 = arith.cmpi slt, %add3A_107, %lt3A_126 : i32
        %convert_element_type3A_128 = arith.extui %lt3A_127 : i1 to i32
        %cond3A_129 = arith.constant 0 : i32
        %cond3A_130 = arith.cmpi ne, %convert_element_type3A_128, %cond3A_129 : i32
        scf.if %cond3A_130 {
          %dma_wait3A_131 = arith.constant 0 : i32
          %dma_wait3A_132 = arith.constant 0 : i32
          %dma_wait3A_133 = tpu.memref_slice %arg13[%dma_wait3A_131, %dma_wait3A_132] : memref<40x128xi32, #tpu.memory_space<vmem>> -> memref<1x128xi32, #tpu.memory_space<vmem>>
          %dma_wait3A_134 = tpu.memref_squeeze %dma_wait3A_133 : memref<1x128xi32, #tpu.memory_space<vmem>> -> memref<128xi32, #tpu.memory_space<vmem>>
          %dma_wait3A_135 = arith.constant 0 : i32
          %dma_wait3A_136 = arith.constant 0 : i32
          %dma_wait3A_137 = tpu.memref_slice %arg10[%dma_wait3A_135, %dma_wait3A_136] : memref<10240x128xf32, #tpu.memory_space<vmem_shared>> -> memref<10240x128xf32, #tpu.memory_space<vmem_shared>>
          tpu.wait_indirect_dma semaphore(%arg21 : memref<!tpu.dma_semaphore, #tpu.memory_space<semaphore_mem>>) src(%arg15 : memref<128x128xf32, #tpu.memory_space<vmem>>) dst(%dma_wait3A_137 : memref<10240x128xf32, #tpu.memory_space<vmem_shared>>)
          %add3A_138 = arith.constant 2 : i32
          %add3A_139 = arith.addi %add3A_107, %add3A_138 : i32
          %dma_start3A_140 = arith.constant 0 : i32
          %dma_start3A_141 = tpu.memref_slice %arg12[%add3A_139, %dma_start3A_140] : memref<40x128xi32, #tpu.memory_space<vmem>> -> memref<1x128xi32, #tpu.memory_space<vmem>>
          %dma_start3A_142 = tpu.memref_squeeze %dma_start3A_141 : memref<1x128xi32, #tpu.memory_space<vmem>> -> memref<128xi32, #tpu.memory_space<vmem>>
          %dma_start3A_143 = arith.constant 0 : i32
          %dma_start3A_144 = arith.constant 0 : i32
          %dma_start3A_145 = tpu.memref_slice %arg2[%dma_start3A_143, %dma_start3A_144] : memref<20000x128xf32, #tpu.memory_space<hbm>> -> memref<20000x128xf32, #tpu.memory_space<hbm>>
          tpu.enqueue_indirect_dma source(%dma_start3A_145 : memref<20000x128xf32, #tpu.memory_space<hbm>>) target(%arg15 : memref<128x128xf32, #tpu.memory_space<vmem>>) offsets(%dma_start3A_142 : memref<128xi32, #tpu.memory_space<vmem>>) semaphore(%arg19 : memref<!tpu.dma_semaphore, #tpu.memory_space<semaphore_mem>>)
        } else {
        }
      }
      %scan3A_72 = arith.constant 20 : i32
    }
    %scan3A_8 = arith.constant 4 : i32
    %dma_wait3A = arith.constant 0 : i32
    %dma_wait3A_9 = arith.constant 0 : i32
    %dma_wait3A_10 = tpu.memref_slice %arg13[%dma_wait3A, %dma_wait3A_9] : memref<40x128xi32, #tpu.memory_space<vmem>> -> memref<1x128xi32, #tpu.memory_space<vmem>>
    %dma_wait3A_11 = tpu.memref_squeeze %dma_wait3A_10 : memref<1x128xi32, #tpu.memory_space<vmem>> -> memref<128xi32, #tpu.memory_space<vmem>>
    %dma_wait3A_12 = arith.constant 0 : i32
    %dma_wait3A_13 = arith.constant 0 : i32
    %dma_wait3A_14 = tpu.memref_slice %arg10[%dma_wait3A_12, %dma_wait3A_13] : memref<10240x128xf32, #tpu.memory_space<vmem_shared>> -> memref<10240x128xf32, #tpu.memory_space<vmem_shared>>
    tpu.wait_indirect_dma semaphore(%arg20 : memref<!tpu.dma_semaphore, #tpu.memory_space<semaphore_mem>>) src(%arg14 : memref<128x128xf32, #tpu.memory_space<vmem>>) dst(%dma_wait3A_14 : memref<10240x128xf32, #tpu.memory_space<vmem_shared>>)
    %dma_wait3A_15 = arith.constant 0 : i32
    %dma_wait3A_16 = arith.constant 0 : i32
    %dma_wait3A_17 = tpu.memref_slice %arg13[%dma_wait3A_15, %dma_wait3A_16] : memref<40x128xi32, #tpu.memory_space<vmem>> -> memref<1x128xi32, #tpu.memory_space<vmem>>
    %dma_wait3A_18 = tpu.memref_squeeze %dma_wait3A_17 : memref<1x128xi32, #tpu.memory_space<vmem>> -> memref<128xi32, #tpu.memory_space<vmem>>
    %dma_wait3A_19 = arith.constant 0 : i32
    %dma_wait3A_20 = arith.constant 0 : i32
    %dma_wait3A_21 = tpu.memref_slice %arg10[%dma_wait3A_19, %dma_wait3A_20] : memref<10240x128xf32, #tpu.memory_space<vmem_shared>> -> memref<10240x128xf32, #tpu.memory_space<vmem_shared>>
    tpu.wait_indirect_dma semaphore(%arg21 : memref<!tpu.dma_semaphore, #tpu.memory_space<semaphore_mem>>) src(%arg15 : memref<128x128xf32, #tpu.memory_space<vmem>>) dst(%dma_wait3A_21 : memref<10240x128xf32, #tpu.memory_space<vmem_shared>>)
    %scan3A_22 = arith.constant 0 : i32
    %scan3A_23 = arith.constant 40 : i32
    %scan3A_24 = arith.addi %scan3A_22, %scan3A_23 : i32
    %scan3A_25 = arith.constant 1 : i32
    scf.for %scan3A_43 = %scan3A_22 to %scan3A_24 step %scan3A_25  : i32 {
      %mul3A_44 = arith.constant 1 : i32
      %mul3A_45 = arith.muli %scan3A_43, %mul3A_44 : i32
      %add3A_46 = arith.constant 0 : i32
      %add3A_47 = arith.addi %add3A_46, %mul3A_45 : i32
      %dma_wait3A_48 = arith.constant 0 : i32
      %dma_wait3A_49 = arith.constant 0 : i32
      %dma_wait3A_50 = tpu.memref_slice %arg13[%dma_wait3A_48, %dma_wait3A_49] : memref<40x128xi32, #tpu.memory_space<vmem>> -> memref<1x128xi32, #tpu.memory_space<vmem>>
      %dma_wait3A_51 = tpu.memref_squeeze %dma_wait3A_50 : memref<1x128xi32, #tpu.memory_space<vmem>> -> memref<128xi32, #tpu.memory_space<vmem>>
      %dma_wait3A_52 = arith.constant 0 : i32
      %dma_wait3A_53 = tpu.memref_slice %arg11[%dma_wait3A_52] : memref<10240xf32, #tpu.memory_space<vmem_shared>> -> memref<10240xf32, #tpu.memory_space<vmem_shared>>
      tpu.wait_indirect_dma semaphore(%arg22 : memref<!tpu.dma_semaphore, #tpu.memory_space<semaphore_mem>>) src(%arg16 : memref<128xf32, #tpu.memory_space<vmem>>) dst(%dma_wait3A_53 : memref<10240xf32, #tpu.memory_space<vmem_shared>>)
    }
    %scan3A_26 = arith.constant 40 : i32
    %barrier3A_27 = arith.constant 0 : index
    tpu.barrier barrier_id(%barrier3A_27)
    %mul3A_28 = arith.constant 10240 : i32
    %mul3A_29 = arith.muli %arg0, %mul3A_28 : i32
    %mul3A_30 = arith.constant 640 : i32
    %mul3A_31 = arith.muli %mul3A_30, %arg1 : i32
    %add3A_32 = arith.addi %mul3A_29, %mul3A_31 : i32
    %mul3A_33 = arith.constant 640 : i32
    %mul3A_34 = arith.muli %mul3A_33, %arg1 : i32
    "tpu.region"() ({
      %run_scoped3A = tpu.sem_alloc : memref<!tpu.dma_semaphore, #tpu.memory_space<semaphore_mem>>
      %dma_start3A = arith.constant 0 : i32
      %dma_start3A_43 = tpu.memref_slice %arg8[%add3A_32, %dma_start3A] : memref<20480x128xf32, #tpu.memory_space<hbm>> -> memref<640x128xf32, #tpu.memory_space<hbm>>
      %dma_start3A_44 = arith.constant 0 : i32
      %dma_start3A_45 = tpu.memref_slice %arg10[%mul3A_34, %dma_start3A_44] : memref<10240x128xf32, #tpu.memory_space<vmem_shared>> -> memref<640x128xf32, #tpu.memory_space<vmem_shared>>
      tpu.enqueue_dma source(%dma_start3A_45 : memref<640x128xf32, #tpu.memory_space<vmem_shared>>) target(%dma_start3A_43 : memref<640x128xf32, #tpu.memory_space<hbm>>) target_semaphore(%run_scoped3A : memref<!tpu.dma_semaphore, #tpu.memory_space<semaphore_mem>>)
      %dma_wait3A_46 = arith.constant 0 : i32
      %dma_wait3A_47 = tpu.memref_slice %arg8[%add3A_32, %dma_wait3A_46] : memref<20480x128xf32, #tpu.memory_space<hbm>> -> memref<640x128xf32, #tpu.memory_space<hbm>>
      %dma_wait3A_48 = arith.constant 0 : i32
      %dma_wait3A_49 = tpu.memref_slice %arg10[%mul3A_34, %dma_wait3A_48] : memref<10240x128xf32, #tpu.memory_space<vmem_shared>> -> memref<640x128xf32, #tpu.memory_space<vmem_shared>>
      tpu.wait_dma2 semaphore(%run_scoped3A : memref<!tpu.dma_semaphore, #tpu.memory_space<semaphore_mem>>) src(%dma_wait3A_49 : memref<640x128xf32, #tpu.memory_space<vmem_shared>>) dst(%dma_wait3A_47 : memref<640x128xf32, #tpu.memory_space<hbm>>)
      tpu.yield
    }) : () -> ()
    %mul3A_35 = arith.constant 640 : i32
    %mul3A_36 = arith.muli %mul3A_35, %arg1 : i32
    "tpu.region"() ({
      %run_scoped3A = tpu.sem_alloc : memref<!tpu.dma_semaphore, #tpu.memory_space<semaphore_mem>>
      %dma_start3A = tpu.memref_slice %arg11[%mul3A_36] : memref<10240xf32, #tpu.memory_space<vmem_shared>> -> memref<640xf32, #tpu.memory_space<vmem_shared>>
      %dma_start3A_43 = tpu.memref_slice %arg11[%mul3A_36] : memref<10240xf32, #tpu.memory_space<vmem_shared>> -> memref<640xf32, #tpu.memory_space<vmem_shared>>
      tpu.enqueue_dma source(%dma_start3A_43 : memref<640xf32, #tpu.memory_space<vmem_shared>>) target(%arg17 : memref<640xf32, #tpu.memory_space<vmem>>) target_semaphore(%run_scoped3A : memref<!tpu.dma_semaphore, #tpu.memory_space<semaphore_mem>>)
      %dma_wait3A_44 = tpu.memref_slice %arg11[%mul3A_36] : memref<10240xf32, #tpu.memory_space<vmem_shared>> -> memref<640xf32, #tpu.memory_space<vmem_shared>>
      %dma_wait3A_45 = tpu.memref_slice %arg11[%mul3A_36] : memref<10240xf32, #tpu.memory_space<vmem_shared>> -> memref<640xf32, #tpu.memory_space<vmem_shared>>
      tpu.wait_dma2 semaphore(%run_scoped3A : memref<!tpu.dma_semaphore, #tpu.memory_space<semaphore_mem>>) src(%dma_wait3A_45 : memref<640xf32, #tpu.memory_space<vmem_shared>>) dst(%arg17 : memref<640xf32, #tpu.memory_space<vmem>>)
      tpu.yield
    }) : () -> ()
    "tpu.region"() ({
      %run_scoped3A = tpu.sem_alloc : memref<!tpu.dma_semaphore, #tpu.memory_space<semaphore_mem>>
      %dma_start3A = arith.constant 0 : i32
      %dma_start3A_43 = arith.constant 0 : i32
      %dma_start3A_44 = tpu.memref_slice %arg5[%dma_start3A, %dma_start3A_43] : memref<640x128xf32, #tpu.memory_space<hbm>> -> memref<128x128xf32, #tpu.memory_space<hbm>>
      %dma_start3A_45 = arith.constant 0 : i32
      %dma_start3A_46 = arith.constant 0 : i32
      %dma_start3A_47 = tpu.memref_slice %arg5[%dma_start3A_45, %dma_start3A_46] : memref<640x128xf32, #tpu.memory_space<hbm>> -> memref<128x128xf32, #tpu.memory_space<hbm>>
      tpu.enqueue_dma source(%dma_start3A_47 : memref<128x128xf32, #tpu.memory_space<hbm>>) target(%arg14 : memref<128x128xf32, #tpu.memory_space<vmem>>) target_semaphore(%run_scoped3A : memref<!tpu.dma_semaphore, #tpu.memory_space<semaphore_mem>>)
      %dma_wait3A_48 = arith.constant 0 : i32
      %dma_wait3A_49 = arith.constant 0 : i32
      %dma_wait3A_50 = tpu.memref_slice %arg5[%dma_wait3A_48, %dma_wait3A_49] : memref<640x128xf32, #tpu.memory_space<hbm>> -> memref<128x128xf32, #tpu.memory_space<hbm>>
      %dma_wait3A_51 = arith.constant 0 : i32
      %dma_wait3A_52 = arith.constant 0 : i32
      %dma_wait3A_53 = tpu.memref_slice %arg5[%dma_wait3A_51, %dma_wait3A_52] : memref<640x128xf32, #tpu.memory_space<hbm>> -> memref<128x128xf32, #tpu.memory_space<hbm>>
      tpu.wait_dma2 semaphore(%run_scoped3A : memref<!tpu.dma_semaphore, #tpu.memory_space<semaphore_mem>>) src(%dma_wait3A_53 : memref<128x128xf32, #tpu.memory_space<hbm>>) dst(%arg14 : memref<128x128xf32, #tpu.memory_space<vmem>>)
      tpu.yield
    }) : () -> ()
    %broadcast_in_dim3A = arith.constant 0 : i32
    %broadcast_in_dim3A_37 = vector.broadcast %broadcast_in_dim3A : i32 to vector<16xi32>
    %scan3A_38 = arith.constant 0 : i32
    %scan3A_39 = arith.constant 5 : i32
    %scan3A_40 = arith.addi %scan3A_38, %scan3A_39 : i32
    %scan3A_41 = arith.constant 1 : i32
    scf.for %scan3A_43 = %scan3A_38 to %scan3A_40 step %scan3A_41  : i32 {
      %mul3A_44 = arith.constant 1 : i32
      %mul3A_45 = arith.muli %scan3A_43, %mul3A_44 : i32
      %add3A_46 = arith.constant 0 : i32
      %add3A_47 = arith.addi %add3A_46, %mul3A_45 : i32
      %scan3A_48 = arith.constant 0 : i32
      %scan3A_49 = arith.constant 8 : i32
      %scan3A_50 = arith.addi %scan3A_48, %scan3A_49 : i32
      %scan3A_51 = arith.constant 1 : i32
      scf.for %scan3A_56 = %scan3A_48 to %scan3A_50 step %scan3A_51  : i32 {
        %mul3A_57 = arith.constant 1 : i32
        %mul3A_58 = arith.muli %scan3A_56, %mul3A_57 : i32
        %add3A_59 = arith.constant 0 : i32
        %add3A_60 = arith.addi %add3A_59, %mul3A_58 : i32
        %mul3A_61 = arith.constant 128 : i32
        %mul3A_62 = arith.muli %add3A_47, %mul3A_61 : i32
        %mul3A_63 = arith.constant 16 : i32
        %mul3A_64 = arith.muli %add3A_60, %mul3A_63 : i32
        %add3A_65 = arith.addi %mul3A_62, %mul3A_64 : i32
        %get3A = arith.index_cast %add3A_65 : i32 to index
        %get3A_66 = tpu.vector_load %arg17[%get3A] {strides = array<i32>} : memref<640xf32, #tpu.memory_space<vmem>>, vector<16xf32>,
        %iota3A = tpu.iota {dimensions = array<i32: 0>} : vector<16xi32>
        %mul3A_67 = arith.constant 16 : i32
        %mul3A_68 = arith.muli %add3A_60, %mul3A_67 : i32
        %add3A_69 = vector.broadcast %mul3A_68 : i32 to vector<16xi32>
        %add3A_70 = arith.addi %iota3A, %add3A_69 : vector<16xi32>
        tpu.vector_store_idx %arg14[%add3A_70, %broadcast_in_dim3A_37], %get3A_66 : memref<128x128xf32, #tpu.memory_space<vmem>>[vector<16xi32>, vector<16xi32>], vector<16xf32>,
      }
      %scan3A_52 = arith.constant 8 : i32
      %mul3A_53 = arith.constant 128 : i32
      %mul3A_54 = arith.muli %mul3A_53, %add3A_47 : i32
      %add3A_55 = arith.addi %add3A_32, %mul3A_54 : i32
      "tpu.region"() ({
        %run_scoped3A = tpu.sem_alloc : memref<!tpu.dma_semaphore, #tpu.memory_space<semaphore_mem>>
        %dma_start3A = arith.constant 0 : i32
        %dma_start3A_56 = tpu.memref_slice %arg9[%add3A_55, %dma_start3A] : memref<20480x128xf32, #tpu.memory_space<hbm>> -> memref<128x128xf32, #tpu.memory_space<hbm>>
        %dma_start3A_57 = arith.constant 0 : i32
        %dma_start3A_58 = tpu.memref_slice %arg9[%add3A_55, %dma_start3A_57] : memref<20480x128xf32, #tpu.memory_space<hbm>> -> memref<128x128xf32, #tpu.memory_space<hbm>>
        tpu.enqueue_dma source(%arg14 : memref<128x128xf32, #tpu.memory_space<vmem>>) target(%dma_start3A_58 : memref<128x128xf32, #tpu.memory_space<hbm>>) target_semaphore(%run_scoped3A : memref<!tpu.dma_semaphore, #tpu.memory_space<semaphore_mem>>)
        %dma_wait3A_59 = arith.constant 0 : i32
        %dma_wait3A_60 = tpu.memref_slice %arg9[%add3A_55, %dma_wait3A_59] : memref<20480x128xf32, #tpu.memory_space<hbm>> -> memref<128x128xf32, #tpu.memory_space<hbm>>
        %dma_wait3A_61 = arith.constant 0 : i32
        %dma_wait3A_62 = tpu.memref_slice %arg9[%add3A_55, %dma_wait3A_61] : memref<20480x128xf32, #tpu.memory_space<hbm>> -> memref<128x128xf32, #tpu.memory_space<hbm>>
        tpu.wait_dma2 semaphore(%run_scoped3A : memref<!tpu.dma_semaphore, #tpu.memory_space<semaphore_mem>>) src(%arg14 : memref<128x128xf32, #tpu.memory_space<vmem>>) dst(%dma_wait3A_62 : memref<128x128xf32, #tpu.memory_space<hbm>>)
        tpu.yield
      }) : () -> ()
    }
    %scan3A_42 = arith.constant 5 : i32
    return
  }
}

module attributes {stable_mosaic.version = 14 : i64} {
  func.func @_tc_body(%arg0: i32, %arg1: memref<1x10240x128xf32, #tpu.memory_space<vmem>>, %arg2: memref<1x10240x128xf32, #tpu.memory_space<vmem>>, %arg3: memref<1x128x128xf32, #tpu.memory_space<vmem>>, %arg4: memref<1x1x128xf32, #tpu.memory_space<vmem>>, %arg5: memref<1x10240x128xf32, #tpu.memory_space<vmem>>) attributes {dimension_semantics = [#tpu.dimension_semantics<arbitrary>], iteration_bounds = array<i64: 2>, scalar_prefetch = 0 : i64, scratch_operands = 0 : i64, tpu.core_type = #tpu.core_type<tc>, window_params = [{transform_indices = @transform_0, window_bounds = array<i64: 1, 10240, 128>}, {transform_indices = @transform_1, window_bounds = array<i64: 1, 10240, 128>}, {transform_indices = @transform_2, window_bounds = array<i64: 1, 128, 128>}, {transform_indices = @transform_3, window_bounds = array<i64: 1, 1, 128>}, {transform_indices = @transform_4, window_bounds = array<i64: 1, 10240, 128>}]} {
    %get3A = arith.constant 0 : index
    %get3A_0 = arith.constant 0 : index
    %get3A_1 = arith.constant 0 : index
    %get3A_2 = vector.load %arg1[%get3A, %get3A_0, %get3A_1] : memref<1x10240x128xf32, #tpu.memory_space<vmem>>, vector<1x10240x128xf32>
    %get3A_3 = vector.shape_cast %get3A_2 : vector<1x10240x128xf32> to vector<10240x128xf32>
    %get3A_4 = arith.constant 0 : index
    %get3A_5 = arith.constant 0 : index
    %get3A_6 = arith.constant 0 : index
    %get3A_7 = vector.load %arg2[%get3A_4, %get3A_5, %get3A_6] : memref<1x10240x128xf32, #tpu.memory_space<vmem>>, vector<1x10240x128xf32>
    %get3A_8 = vector.shape_cast %get3A_7 : vector<1x10240x128xf32> to vector<10240x128xf32>
    %slice3A = vector.extract_strided_slice %get3A_8 {offsets = [0, 0], sizes = [10240, 1], strides = [1, 1]} : vector<10240x128xf32> to vector<10240x1xf32>
    %max3A = arith.constant 1.000000e+00 : f32
    %max3A_9 = vector.broadcast %max3A : f32 to vector<10240x1xf32>
    %max3A_10 = arith.maximumf %slice3A, %max3A_9 : vector<10240x1xf32>
    %div3A = arith.constant 1.000000e+00 : f32
    %div3A_11 = vector.broadcast %div3A : f32 to vector<10240x1xf32>
    %div3A_12 = arith.divf %div3A_11, %max3A_10 : vector<10240x1xf32>
    %mul3A = vector.broadcast %div3A_12 : vector<10240x1xf32> to vector<10240x128xf32>
    %mul3A_13 = arith.mulf %get3A_3, %mul3A : vector<10240x128xf32>
    %get3A_14 = arith.constant 0 : index
    %get3A_15 = arith.constant 0 : index
    %get3A_16 = arith.constant 0 : index
    %get3A_17 = vector.load %arg3[%get3A_14, %get3A_15, %get3A_16] : memref<1x128x128xf32, #tpu.memory_space<vmem>>, vector<1x128x128xf32>
    %get3A_18 = vector.shape_cast %get3A_17 : vector<1x128x128xf32> to vector<128x128xf32>
    %dot_general3A = arith.constant dense<0.000000e+00> : vector<10240x128xf32>
    %dot_general3A_19 = tpu.matmul %mul3A_13, %get3A_18, %dot_general3A {dimension_numbers = #tpu.dot_dimension_numbers<[1], [0], [0], [1], [0, 0, 1, 1], [], []>, transpose_lhs_hint = false} : vector<10240x128xf32>, vector<128x128xf32>, vector<10240x128xf32> -> vector<10240x128xf32>
    %gt3A = arith.constant 0.000000e+00 : f32
    %gt3A_20 = vector.broadcast %gt3A : f32 to vector<10240x1xf32>
    %gt3A_21 = arith.cmpf ogt, %slice3A, %gt3A_20 : vector<10240x1xf32>
    %jit3A = arith.constant 1.000000e+00 : f32
    %jit3A_22 = arith.constant 0.000000e+00 : f32
    %broadcast_in_dim3A = vector.broadcast %jit3A : f32 to vector<10240x1xf32>
    %broadcast_in_dim3A_23 = vector.broadcast %jit3A_22 : f32 to vector<10240x1xf32>
    %select_n3A = arith.select %gt3A_21, %broadcast_in_dim3A, %broadcast_in_dim3A_23 : vector<10240x1xi1>, vector<10240x1xf32>
    %get3A_24 = arith.constant 0 : index
    %get3A_25 = arith.constant 0 : index
    %get3A_26 = arith.constant 0 : index
    %get3A_27 = vector.load %arg4[%get3A_24, %get3A_25, %get3A_26] : memref<1x1x128xf32, #tpu.memory_space<vmem>>, vector<1x1x128xf32>
    %get3A_28 = vector.shape_cast %get3A_27 : vector<1x1x128xf32> to vector<1x128xf32>
    %mul3A_29 = vector.broadcast %select_n3A : vector<10240x1xf32> to vector<10240x128xf32>
    %mul3A_30 = vector.broadcast %get3A_28 : vector<1x128xf32> to vector<10240x128xf32>
    %mul3A_31 = arith.mulf %mul3A_29, %mul3A_30 : vector<10240x128xf32>
    %add3A = arith.addf %dot_general3A_19, %mul3A_31 : vector<10240x128xf32>
    %swap3A = arith.constant 0 : index
    %swap3A_32 = arith.constant 0 : index
    %swap3A_33 = arith.constant 0 : index
    %swap3A_34 = vector.load %arg5[%swap3A, %swap3A_32, %swap3A_33] : memref<1x10240x128xf32, #tpu.memory_space<vmem>>, vector<1x10240x128xf32>
    %swap3A_35 = vector.shape_cast %swap3A_34 : vector<1x10240x128xf32> to vector<10240x128xf32>
    %swap3A_36 = vector.shape_cast %add3A : vector<10240x128xf32> to vector<1x10240x128xf32>
    tpu.vector_store %arg5[%swap3A, %swap3A_32, %swap3A_33], %swap3A_36 {strides = array<i32>} : memref<1x10240x128xf32, #tpu.memory_space<vmem>>, vector<1x10240x128xf32>,
    return
  }
  func.func @transform_0(%arg0: i32) -> (i32, i32, i32) {
    %c0_i32 = arith.constant 0 : i32
    %c0_i32_0 = arith.constant 0 : i32
    %c0_i32_1 = arith.constant 0 : i32
    return %arg0, %c0_i32, %c0_i32_0 : i32, i32, i32
  }
  func.func @transform_1(%arg0: i32) -> (i32, i32, i32) {
    %c0_i32 = arith.constant 0 : i32
    %c0_i32_0 = arith.constant 0 : i32
    %c0_i32_1 = arith.constant 0 : i32
    return %arg0, %c0_i32, %c0_i32_0 : i32, i32, i32
  }
  func.func @transform_2(%arg0: i32) -> (i32, i32, i32) {
    %c0_i32 = arith.constant 0 : i32
    %c0_i32_0 = arith.constant 0 : i32
    %c0_i32_1 = arith.constant 0 : i32
    return %arg0, %c0_i32, %c0_i32_0 : i32, i32, i32
  }
  func.func @transform_3(%arg0: i32) -> (i32, i32, i32) {
    %c0_i32 = arith.constant 0 : i32
    %c0_i32_0 = arith.constant 0 : i32
    %c0_i32_1 = arith.constant 0 : i32
    return %arg0, %c0_i32, %c0_i32_0 : i32, i32, i32
  }
  func.func @transform_4(%arg0: i32) -> (i32, i32, i32) {
    %c0_i32 = arith.constant 0 : i32
    %c0_i32_0 = arith.constant 0 : i32
    %c0_i32_1 = arith.constant 0 : i32
    return %arg0, %c0_i32, %c0_i32_0 : i32, i32, i32
  }
}

</mosaic_0001>

<sc_bundles>
// kernel: kernel.4.cloned.1.call-start
scs
__scs_entry_jumppad:
0x0: {  	(pc) =	sbr.rel $0x88, $3  }
0x1: {  	(tag) =	ssettag $0x0;
	lr =	simm.s32 $0x1  }
0x2: {  	[smem:$0x3F97] =	sst lr;
	_ =	strace $0xD0000000  }
0x3: {  	_ = 	snop  }
0x4: {  	_ = 	snop  }
0x5: {  	_ = 	snop  }
0x6: {  	_ = 	snop  }
0x7: {  	_ = 	snop  }
__scs_overlays_trampoline_lowered:
0x8: {  	[smem:$0x3FA6] =	sst s0  }
0x9: {  	[smem:$0x3FA7] =	sst s1  }
0xa: {  	[smem:$0x3FA8] =	sst s2  }
0xb: {  	[smem:$0x3FA9] =	sst s3  }
0xc: {  	[smem:$0x3FAA] =	sst s4  }
0xd: {  	[smem:$0x3FAB] =	sst s5  }
0xe: {  	[smem:$0x3FAC] =	sst s6  }
0xf: {  	[smem:$0x3FAD] =	sst s7  }
0x10: {  	[smem:$0x3FAE] =	sst s8  }
0x11: {  	[smem:$0x3FAF] =	sst s9;
	s0 =	simm.s32 @!p0 $0x0  }
0x12: {  	s1 =	sld [smem:$0x3F95];
	s0 =	simm.s32 @p0 $0x1  }
0x13: {  	[smem:$0x3FB0] =	sst s0;
	s0 =	simm.s32 @!p1 $0x0  }
0x14: {  	s2 =	sld [smem:$0x3F94];
	s0 =	simm.s32 @p1 $0x1  }
0x15: {  	[smem:$0x3FB1] =	sst s0;
	s0 =	simm.s32 @!p2 $0x0  }
0x16: {  	s3 =	sld [smem:$0x3FDB];
	s0 =	simm.s32 @p2 $0x1  }
0x17: {  	s4 =	simm.s32 $0x1BF5;
	[smem:$0x3FB3] =	sst s0  }
0x18: {  	s0 =	sld [smem:$0x3F96];
	_ =	swait.ge [sflag:s4], $0x0  }
0x19: {  	s7 =	sld [smem:$0x3F97]  }
0x1a: {  	s8 =	sadd.s32 $0xFFFFE003, lr  }
0x1b: {  	s9 =	sadd.s32 $0xFFFFFEF7, lr;
	s5 =	simm.s32 $0xFFFFFFFF;
	p2 =	slt.u32 s8, $0xFFFFF086  }
0x1c: {  	p1 =	slt.u32 s9, $0xF7A;
	s5 =	simm.s32 @!p2 $0x0  }
0x1d: {  	s5 =	simm.s32 @p1 $0x1;
	p0 =	seq.s32 s7, s2  }
0x1e: {  	s7 =	smul.u32 @!p0 $0xF7A, s2;
	p2 =	seq.s32 @!p0 s5, $0x0  }
0x1f: {  	s9 =	smul.u32 $0xF7A, s1;
	s8 =	simm.s32 @!p0 $0x1BF5;
	p2 =	por !p2, p0  }
0x20: {  	[sflag:s8] =	ssyncset.s32 @!p0 $0xFFFFF086;
	s6 =	sadd.s32 @!p0 s3, s7;
	s7 =	simm.s32 @!p0 $0x108  }
0x21: {  	s3 =	sadd.s32 s3, s9;
	s6 =	sadd.s32 @!p0 $0x88, s6;
	s7 =	simm.s32 @p2 $0x1082  }
0x22: {  	[simem:s7], [sflag:s8] =	dma.local @!p0 [hbm:s6], $0xF7A  }
0x23: {  	s9 =	sor.u32 $0xD0000000, s2;
	s6 =	simm.s32 $0x108;
	_ =	swait.ge @!p0 [sflag:s8], $0x0  }
0x24: {  	s3 =	sadd.s32 $0x88, s3;
	s6 =	simm.s32 @!p1 $0x1082;
	[sflag:s4] =	ssyncset.s32 $0xFFFFF086  }
0x25: {  	[simem:s6], [sflag:s4] =	dma.local [hbm:s3], $0xF7A  }
0x26: {  	[smem:$0x3F97] =	sst s1;
	(tag) =	ssettag s2;
	_ =	strace s9  }
0x27: {  	s1 =	sld [smem:$0x3FA7]  }
0x28: {  	s2 =	sld [smem:$0x3FA8]  }
0x29: {  	s4 =	sld [smem:$0x3FAA]  }
0x2a: {  	p0 =	seq.s32 s5, $0x0;
	s5 =	sld [smem:$0x3FAB]  }
0x2b: {  	s6 =	sld [smem:$0x3FAC]  }
0x2c: {  	s7 =	sld [smem:$0x3FAD]  }
0x2d: {  	s3 =	simm.s32 $0x108;
	s8 =	sld [smem:$0x3FAE]  }
0x2e: {  	s3 =	simm.s32 @!p0 $0x1082;
	s9 =	sld [smem:$0x3FAF]  }
0x2f: {  	lr =	sadd.s32 s0, s3;
	s0 =	sld [smem:$0x3FA6]  }
0x30: {  	s3 =	sld [smem:$0x3FA9]  }
0x31: {  	[smem:$0x3FB2] =	sst s10  }
0x32: {  	s10 =	sld [smem:$0x3FB0];
	_ =	sdelay $0x3  }
0x33: {  	p0 =	seq.s32 s10, $0x1;
	s10 =	sld [smem:$0x3FB2];
	_ =	sdelay $0x3  }
0x34: {  	[smem:$0x3FB2] =	sst s10  }
0x35: {  	s10 =	sld [smem:$0x3FB1];
	_ =	sdelay $0x3  }
0x36: {  	p1 =	seq.s32 s10, $0x1;
	s10 =	sld [smem:$0x3FB2];
	_ =	sdelay $0x3  }
0x37: {  	[smem:$0x3FB2] =	sst s10  }
0x38: {  	s10 =	sld [smem:$0x3FB3]  }
0x39: {  	_ = 	snop;
	(pc) =	sbr.ind lr, $3  }
0x3a: {  	_ = 	snop  }
0x3b: {  	_ = 	snop  }
0x3c: {  	p2 =	seq.s32 s10, $0x1;
	s10 =	sld [smem:$0x3FB2]  }
0x3d: {  	_ =	shalt  }
0x3e: {  	_ =	shalt  }
0x3f: {  	_ =	shalt  }
0x40: {  	_ =	shalt  }
0x41: {  	_ =	shalt  }
0x42: {  	_ =	shalt  }
0x43: {  	_ =	shalt  }
0x44: {  	_ =	shalt  }
0x45: {  	_ =	shalt  }
0x46: {  	_ =	shalt  }
0x47: {  	_ =	shalt  }
0x48: {  	_ =	shalt  }
0x49: {  	_ =	shalt  }
0x4a: {  	_ =	shalt  }
0x4b: {  	_ =	shalt  }
0x4c: {  	_ =	shalt  }
0x4d: {  	_ =	shalt  }
0x4e: {  	_ =	shalt  }
0x4f: {  	_ =	shalt  }
0x50: {  	_ =	shalt  }
0x51: {  	_ =	shalt  }
0x52: {  	_ =	shalt  }
0x53: {  	_ =	shalt  }
0x54: {  	_ =	shalt  }
0x55: {  	_ =	shalt  }
0x56: {  	_ =	shalt  }
0x57: {  	_ =	shalt  }
0x58: {  	_ =	shalt  }
0x59: {  	_ =	shalt  }
0x5a: {  	_ =	shalt  }
0x5b: {  	_ =	shalt  }
0x5c: {  	_ =	shalt  }
0x5d: {  	_ =	shalt  }
0x5e: {  	_ =	shalt  }
0x5f: {  	_ =	shalt  }
0x60: {  	_ =	shalt  }
0x61: {  	_ =	shalt  }
0x62: {  	_ =	shalt  }
0x63: {  	_ =	shalt  }
0x64: {  	_ =	shalt  }
0x65: {  	_ =	shalt  }
0x66: {  	_ =	shalt  }
0x67: {  	_ =	shalt  }
0x68: {  	_ =	shalt  }
0x69: {  	_ =	shalt  }
0x6a: {  	_ =	shalt  }
0x6b: {  	_ =	shalt  }
0x6c: {  	_ =	shalt  }
0x6d: {  	_ =	shalt  }
0x6e: {  	_ =	shalt  }
0x6f: {  	_ =	shalt  }
0x70: {  	_ =	shalt  }
0x71: {  	_ =	shalt  }
0x72: {  	_ =	shalt  }
0x73: {  	_ =	shalt  }
0x74: {  	_ =	shalt  }
0x75: {  	_ =	shalt  }
0x76: {  	_ =	shalt  }
0x77: {  	_ =	shalt  }
0x78: {  	_ =	shalt  }
0x79: {  	_ =	shalt  }
0x7a: {  	_ =	shalt  }
0x7b: {  	_ =	shalt  }
0x7c: {  	_ =	shalt  }
0x7d: {  	_ =	shalt  }
0x7e: {  	_ =	shalt  }
0x7f: {  	_ =	shalt  }
0x80: {  	_ =	shalt  }
0x81: {  	_ =	shalt  }
0x82: {  	_ =	shalt  }
0x83: {  	_ =	shalt  }
0x84: {  	_ =	shalt  }
0x85: {  	_ =	shalt  }
0x86: {  	_ =	shalt  }
0x87: {  	_ =	shalt  }
.Lfunc_end0:
.L_simem_size_0:
called_computation_lowered:
.L_overlay_start_0:
0x88: {  	s2 =	sld [smem:$0x3FD9]  }
0x89: {  	s3 =	sld [smem:$0x3FFE];
	_ =	sdelay $0x1  }
0x8a: {  	s1 =	srdreg.scid  }
0x8b: {  	s0 =	sand.u32 $0x1, s1  }
0x8c: {  	s14 =	sshll.u32 s0, $0xA;
	s2 =	sadd.s32 s3, s2  }
0x8d: {  	s2 =	sadd.s32 s2, s14  }
0x8e: {  	[smem:$0x3FBE] =	sst s2  }
0x8f: {  	_ = 	snop  }
0x90: {  	s2 =	sld [smem:$0x3FD0];
	_ =	sdelay $0x2  }
0x91: {  	s15 =	simm.s32 $0xA;
	s4 =	simm.s32 $0x10  }
0x92: {  	[smem:s4], [sflag:s15] =	dma.local [hbm:s2], $0x1  }
0x93: {  	_ =	swait.eq [sflag:s15], $0x1  }
0x94: {  	[sflag:s15] =	ssyncset.done $0x0  }
0x95: {  	s16 =	sld [smem:$0x10];
	[sflag:s15] =	ssyncadd.s32 $0xFFFFFFFF  }
0x96: {  	s17 =	sld [smem:$0x11];
	(tm) =	ssettm $0x1  }
0x97: {  	s18 =	sld [smem:$0x3FFB];
	_ =	sdelay $0x3  }
0x98: {  	_ =	strace s18  }
0x99: {  	s4 =	sld [smem:$0x3FFC];
	_ =	sdelay $0x3  }
0x9a: {  	_ =	strace s4  }
0x9b: {  	s4 =	sld [smem:$0x3FFD];
	_ =	sdelay $0x3  }
0x9c: {  	_ =	strace s4  }
0x9d: {  	_ =	strace $0x8FFFFFFF  }
0x9e: {  	s19 =	sld [smem:$0x3FDB];
	_ =	sdelay $0x1  }
0x9f: {  	s5 =	simm.s32 $_scs_section_size  }
0xa0: {  	s6 =	simm.s32 $_size__tile_overlayer_lowered;
	s7 =	simm.s32 $_tile_overlayer_lowered  }
0xa1: {  	s22 =	simm.s32 $0x1BFF;
	s21 =	sshll.u32 s7, $0x1;
	s4 =	sadd.s32 s5, s19  }
0xa2: {  	s8 =	simm.s32 $0x0;
	s20 =	sshll.u32 s6, $0x1;
	s6 =	sadd.s32 s21, s4  }
0xa3: {  	[timem:s8], [sflag:s22] =	dma.local [hbm:s6], s20  }
0xa4: {  	_ =	swait.ge [sflag:s22], s20  }
0xa5: {  	s5 =	ssub.s32 $0x0, s20;
	[sflag:s22] =	ssyncset.done $0x0  }
0xa6: {  	[sflag:s22] =	ssyncadd.s32 s5;
	_ =	sdelay $0x1  }
0xa7: {  	s23 =	simm.s32 $0x1B8B  }
0xa8: {  	_ =	swait.ge [sflag:s23], $0x1  }
0xa9: {  	[sflag:s23] =	ssyncset.done $0x0  }
0xaa: {  	s25 =	simm.s32 $0x1B8E;
	s24 =	sld [smem:$0x3FFE];
	[sflag:s23] =	ssyncadd.s32 $0xFFFFFFFF  }
0xab: {  	s26 =	simm.s32 $execute0_lowered;
	[smem:$0x3FD2] =	sst s25  }
0xac: {  	s6 =	sshll.u32 s26, $0x1;
	_ =	strace $0x80000046;
	[dreg:$0x1] =	wrdreg $0xFFFFFFFF  }
0xad: {  	s28 =	simm.s32 $_size_execute0_lowered;
	s4 =	sadd.s32 s4, s6;
	[dreg:$0x0] =	wrdreg $0x0  }
0xae: {  	s6 =	sshll.u32 s28, $0x1;
	[dreg:$0x2] =	wrdreg s4  }
0xaf: {  	[dreg:$0x3] =	wrdreg s6  }
0xb0: {  	[dreg:$0x4] =	wrdreg $0xC0  }
0xb1: {  	_ =	task [dreg:s8], $0x5FFFF  }
0xb2: {  	[dreg:$0x1] =	wrdreg $0xFFFFFFFF  }
0xb3: {  	[dreg:$0x0] =	wrdreg $0x60  }
0xb4: {  	[dreg:$0x2] =	wrdreg s24  }
0xb5: {  	[dreg:$0x3] =	wrdreg s16  }
0xb6: {  	[dreg:$0x4] =	wrdreg s17  }
0xb7: {  	[dreg:$0x5] =	wrdreg $0x0  }
0xb8: {  	[dreg:$0x6] =	wrdreg $0x140000  }
0xb9: {  	[dreg:$0x7] =	wrdreg $0x9  }
0xba: {  	_ =	task.clear_ibuf [dreg:s8], $0x8FFFF;
	_ =	strace $0x90000046  }
0xbb: {  	s29 =	simm.s32 $0x9;
	_ =	strace $0x80000048  }
0xbc: {  	_ =	swait.ge [sflag:s29], $0x1  }
0xbd: {  	[sflag:s29] =	ssyncadd.s32 $0xFFFFFFFF  }
0xbe: {  	_ =	strace $0x90000048  }
0xbf: {  	_ =	sfence  }
0xc0: {  	s30 =	sld [smem:$0x0];
	_ =	sdelay $0x2  }
0xc1: {  	s31 =	sshll.u32 s1, $0xD;
	s1 =	sshrl.u32 s1, $0x2  }
0xc2: {  	s3 =	sand.u32 $0x4000, s31;
	s1 =	sadd.s32 s1, s30  }
0xc3: {  	s0 =	sor.u32 s3, s0;
	s1 =	sshll.u32 s1, $0x11  }
0xc4: {  	s0 =	sor.u32 s1, s0  }
0xc5: {  	s0 =	sadd.s32 $0x8F2B, s0  }
0xc6: {  	[sflag:s0] =	ssyncadd.remote.s32 $0x1  }
0xc7: {  	_ =	sfence.sel $0xFFFF  }
0xc8: {  	[dreg:$0x0] =	wrdreg $0xFFFFFFFF;
	(pc) =	sbr.abs _section_cstart, $3  }
0xc9: {  	[dreg:$0x1] =	wrdreg $0xFFFFFFFF  }
0xca: {  	_ =	task.clear_ibuf [dreg:s8], $0x2FFFF;
	_ =	strace $0x9FFFFFFF  }
0xcb: {  	(tm) =	ssettm $0x7FFFFFFF  }
tec
execute0_lowered:
.L_overlay_start_1:
0x0: {  	(tag) =	ssettag $0x1  }
0x1: {  	s0 =	rddreg [dreg:$0x0]  }
0x2: {  	s1 =	rddreg [dreg:$0x1]  }
0x3: {  	s2 =	rddreg [dreg:$0x2]  }
0x4: {  	s4 =	rddreg [dreg:$0x3]  }
0x5: {  	s5 =	rddreg [dreg:$0x4]  }
0x6: {  	s3 =	srdreg.scid;
	s15 =	stileid.u32;
	s6 =	simm.s32 $0x0  }
0x7: {  	s28 =	simm.s32 $0x80;
	s29 =	simm.s32 $0x16A80;
	s30 =	simm.s32 $0x14300  }
0x8: {  	s31 =	simm.s32 $0x1AA80;
	s3 =	sand.u32 $0x1, s3;
	s9 =	smul.u32 $0x280, s15  }
0x9: {  	[smem:$0x7FF] =	sst s6;
	s7 =	sadd.s32 $0x2E00, s0;
	s8 =	sadd.s32 $0x51000, s0  }
0xa: {  	s11 =	sadd.s32 $0x53800, s0;
	s14 =	smul.u32 $0x50000, s15;
	s12 =	sadd.s32 $0x53A00, s0  }
0xb: {  	s13 =	sshll.u32 s15, $0x6;
	s19 =	sshll.u32 s15, $0x2;
	s15 =	simm.s32 $0x16A00  }
0xc: {  	s10 =	smul.u32 $0x2800, s3;
	_ =	strace $0x80000047;
	[dreg:$0x6] =	wrdreg s11  }
0xd: {  	[dreg:$0x7] =	wrdreg s12;
	s16 =	ssub.s32 $0x2, s3;
	s3 =	sshll.u32 s3, $0x6  }
0xe: {  	s17 =	sshrl.u32 s16, $0x1;
	s11 =	sshrl.u32 s14, $0x2;
	s10 =	sadd.s32 s9, s10  }
0xf: {  	s18 =	sadd.s32 s9, s5;
	s14 =	sadd.s32 s11, s4;
	s10 =	sshll.u32 s10, $0x4  }
0x10: {  	s11 =	sor.u32 $0x1C06, s13;
	s26 =	sshrl.u32 s18, $0x3;
	s0 =	sadd.s32 s10, s0  }
0x11: {  	s13 =	sor.u32 s19, s3;
	[dreg:$0xf] =	wrdreg s26;
	s20 =	sadd.s32 $0x53C00, s0  }
0x12: {  	s10 =	ssub.s32 s16, s17;
	s21 =	sadd.s32 $0xA3C00, s0;
	[dreg:$0x8] =	wrdreg s20  }
0x13: {  	s3 =	simm.s32 $0x3;
	s22 =	smax.u32 s10, $0x1;
	[dreg:$0x9] =	wrdreg s21  }
0x14: {  	s9 =	simm.s32 $0x2;
	s23 =	sadd.s32 $0xA4400, s0;
	[dreg:$0xa] =	wrdreg s22  }
0x15: {  	v0 =	vlaneseq.u32;
	s26 =	simm.s32 $0x15680;
	s24 =	sadd.s32 $0xA4C00, s0;
	[dreg:$0xb] =	wrdreg s23  }
0x16: {  	v0 =	vmul.u32 $0x80, v0;
	s16 =	simm.s32 $0x5;
	s25 =	sadd.s32 $0xA5400, s0;
	[dreg:$0xc] =	wrdreg s24  }
0x17: {  	s17 =	simm.s32 $0x0;
	s0 =	sadd.s32 $0xA5C00, s0;
	[dreg:$0xd] =	wrdreg s25  }
0x18: {  	v1 =	vor.u32 $0x800, v0;
	s10 =	simm.s32 $0x4;
	[dreg:$0xe] =	wrdreg s0;
	s21 =	sshrl.u32 s14, $0x3  }
0x19: {  	v2 =	vor.u32 $0x1000, v0;
	v3 =	vor.u32 $0x1800, v0;
	v4 =	vor.u32 $0x2000, v0;
	s22 =	simm.s32 $0x6;
	s23 =	smov.u32 s18;
	s24 =	simm.s32 $0x1EA80  }
0x1a: {  	v5 =	vor.u32 $0x2800, v0;
	v6 =	vor.u32 $0x3000, v0;
	v7 =	vor.u32 $0x3800, v0;
	s25 =	simm.s32 $0x14280;
	s0 =	simm.s32 $0x1;
	s14 =	simm.s32 $0x16980  }
.LBB2_1:
0x1b: {  	[spmem:s21], [sflag:s11] =	dma.local [hbm:s8], $0x2800  }
0x1c: {  	_ =	swait.ge [sflag:s22], $0x2800  }
0x1d: {  	[sflag:s22] =	ssyncset.done $0x0;
	s12 =	rddreg [dreg:$0x6]  }
0x1e: {  	s18 =	rddreg [dreg:$0xf];
	[sflag:s22] =	ssyncadd.s32 $0xFFFFD800  }
0x1f: {  	[spmem:s18], [sflag:s11] =	dma.local [hbm:s12], $0x50  }
0x20: {  	_ =	swait.ge [sflag:s22], $0x50  }
0x21: {  	[sflag:s22] =	ssyncset.done $0x0  }
0x22: {  	s20 =	rddreg [dreg:$0x7];
	[sflag:s22] =	ssyncadd.s32 $0xFFFFFFB0  }
0x23: {  	[tilespmem:s24], [sflag:$0x6] =	stream.linear.gather [hbm4b:s20+s6], $0x80, $0x38;
	[tilespmem:$0x1ED80] =	vst v63  }
0x24: {  	_ =	swait.ge [sflag:s22], $0x80  }
0x25: {  	[sflag:s22] =	ssyncset.done $0x0  }
0x26: {  	[sflag:s22] =	ssyncadd.s32 $0xFFFFFF80  }
0x27: {  	s18 =	simm.s32 $0x0;
	[bflag:$0x0] =	sbarrier.arrive $0xFFFF  }
.LBB2_2:
0x28: {  	p0 =	seq.s32 s18, $0x0  }
.Ltmp0:
0x29: {  	_ = 	snop;
	(pc) =	sbr.rel @p0 .LBB2_6-.Ltmp0, $1  }
0x2a: {  	_ =	sdelay $0x3  }
0x2b: {  	_ =	swait.ge [sflag:s3], $0x4000  }
0x2c: {  	[sflag:s3] =	ssyncset.done $0x0  }
0x2d: {  	[sflag:s3] =	ssyncadd.s32 $0xFFFFC000  }
0x2e: {  	_ =	swait.ge [sflag:s10], $0x4000  }
0x2f: {  	[sflag:s10] =	ssyncset.done $0x0  }
0x30: {  	[sflag:s10] =	ssyncadd.s32 $0xFFFFC000  }
0x31: {  	_ =	swait.ge [sflag:s16], $0x80  }
0x32: {  	s19 =	simm.s32 $0x27;
	[sflag:s16] =	ssyncset.done $0x0  }
.LBB2_4:
0x33: {  	p0 =	sne.s32 s19, $0x1;
	s19 =	sadd.s32 $0xFFFFFFFF, s19;
	[sflag:s16] =	ssyncadd.s32 $0xFFFFFF80  }
.Ltmp1:
0x34: {  	(pc) =	sbr.rel @p0 .LBB2_4-.Ltmp1, $3  }
0x35: {  	_ =	sdelay $0x1  }
0x36: {  	_ =	swait.ge [sflag:s16], $0x80  }
0x37: {  	[sflag:s16] =	ssyncset.done $0x0  }
0x38: {  	[sflag:s16] =	ssyncadd.s32 $0xFFFFFF80  }
.LBB2_6:
0x39: {  	s19 =	sadd.s32 s13, s18  }
0x3a: {  	s19 =	smul.u32 $0x280, s19;
	_ =	sdelay $0x1  }
0x3b: {  	s12 =	simm.s32 $0x0;
	s20 =	sadd.s32 s1, s19  }
0x3c: {  	[tilespmem:s25], [sflag:$0x6] =	stream.linear.gather [hbm4b:s20+s12], $0x1400, $0x38;
	[tilespmem:$0x1ED80] =	vst v63  }
0x3d: {  	_ =	swait.ge [sflag:s22], $0x1400  }
0x3e: {  	[sflag:s22] =	ssyncset.done $0x0  }
0x3f: {  	s19 =	sadd.s32 s2, s19;
	[sflag:s22] =	ssyncadd.s32 $0xFFFFEC00  }
0x40: {  	[tilespmem:s26], [sflag:$0x6] =	stream.linear.gather [hbm4b:s19+s12], $0x1400, $0x38;
	[tilespmem:$0x1ED80] =	vst v63  }
0x41: {  	_ =	swait.ge [sflag:s22], $0x1400  }
0x42: {  	[sflag:s22] =	ssyncset.done $0x0  }
0x43: {  	[sflag:s22] =	ssyncadd.s32 $0xFFFFEC00  }
0x44: {  	[tilespmem:s29], [sflag:$0x1] =	stream.indirect.gather [hbm4b:s7+s28], $0x80, s25, s28, $0xb8;
	[tilespmem:$0x1ED80] =	vst v63  }
0x45: {  	_ = 	snop  }
0x46: {  	[tilespmem:s31], [sflag:$0x2] =	stream.indirect.gather [hbm4b:s7+s28], $0x80, s30, s28, $0xb8;
	[tilespmem:$0x1ED80] =	vst v63  }
0x47: {  	_ =	swait.ge [sflag:s0], $0x4000  }
0x48: {  	[sflag:s0] =	ssyncset.done $0x0  }
0x49: {  	s20 =	simm.s32 $0x15680;
	[sflag:s0] =	ssyncadd.s32 $0xFFFFC000  }
0x4a: {  	[spmem:s4] =	stream.indirect.scatter.add.f32 [tilespmem:s29], [sflag:$0x3], $0x80, s20, s28, $0xb8;
	[tilespmem:$0x1ED80] =	vst v63  }
0x4b: {  	_ = 	snop  }
0x4c: {  	[spmem:s5] =	stream.indirect.scatter.add.f32 [tilespmem:s24], [sflag:$0x5], $0x1, s20, s28, $0xb8;
	[tilespmem:$0x1ED80] =	vst v63  }
0x4d: {  	_ =	swait.ge [sflag:s3], $0x4000  }
0x4e: {  	[sflag:s3] =	ssyncset.done $0x0  }
0x4f: {  	s19 =	simm.s32 $0x14380;
	[sflag:s3] =	ssyncadd.s32 $0xFFFFC000  }
0x50: {  	[tilespmem:s29], [sflag:$0x1] =	stream.indirect.gather [hbm4b:s7+s28], $0x80, s19, s28, $0xb8;
	[tilespmem:$0x1ED80] =	vst v63  }
0x51: {  	_ =	swait.ge [sflag:s9], $0x4000  }
0x52: {  	[sflag:s9] =	ssyncset.done $0x0  }
0x53: {  	s20 =	simm.s32 $0x15700;
	[sflag:s9] =	ssyncadd.s32 $0xFFFFC000  }
0x54: {  	[spmem:s4] =	stream.indirect.scatter.add.f32 [tilespmem:s31], [sflag:$0x4], $0x80, s20, s28, $0xb8;
	[tilespmem:$0x1ED80] =	vst v63  }
0x55: {  	_ = 	snop  }
0x56: {  	[spmem:s5] =	stream.indirect.scatter.add.f32 [tilespmem:s24], [sflag:$0x5], $0x1, s20, s28, $0xb8;
	[tilespmem:$0x1ED80] =	vst v63  }
0x57: {  	_ =	swait.ge [sflag:s10], $0x4000  }
0x58: {  	[sflag:s10] =	ssyncset.done $0x0  }
0x59: {  	s19 =	simm.s32 $0x400;
	s20 =	simm.s32 $0x14400;
	[sflag:s10] =	ssyncadd.s32 $0xFFFFC000  }
.LBB2_7:
0x5a: {  	[tilespmem:s31], [sflag:$0x2] =	stream.indirect.gather [hbm4b:s7+s28], $0x80, s20, s28, $0xb8;
	[tilespmem:$0x1ED80] =	vst v63  }
0x5b: {  	s12 =	smov.u32 s19  }
0x5c: {  	p0 =	sne.s32 s19, $0x4800;
	s19 =	sadd.s32 $0x400, s19;
	_ =	swait.ge [sflag:s0], $0x4000  }
0x5d: {  	s12 =	sshra.s32 s12, $0x2;
	[sflag:s0] =	ssyncset.done $0x0  }
0x5e: {  	s20 =	sadd.s32 $0x15680, s12;
	[sflag:s0] =	ssyncadd.s32 $0xFFFFC000  }
0x5f: {  	[spmem:s4] =	stream.indirect.scatter.add.f32 [tilespmem:s29], [sflag:$0x3], $0x80, s20, s28, $0xb8;
	[tilespmem:$0x1ED80] =	vst v63  }
0x60: {  	_ = 	snop  }
0x61: {  	[spmem:s5] =	stream.indirect.scatter.add.f32 [tilespmem:s24], [sflag:$0x5], $0x1, s20, s28, $0xb8;
	[tilespmem:$0x1ED80] =	vst v63  }
0x62: {  	_ =	swait.ge [sflag:s3], $0x4000  }
0x63: {  	[sflag:s3] =	ssyncset.done $0x0  }
0x64: {  	s20 =	sadd.s32 $0x14380, s12;
	[sflag:s3] =	ssyncadd.s32 $0xFFFFC000  }
0x65: {  	[tilespmem:s29], [sflag:$0x1] =	stream.indirect.gather [hbm4b:s7+s28], $0x80, s20, s28, $0xb8;
	[tilespmem:$0x1ED80] =	vst v63  }
0x66: {  	_ =	swait.ge [sflag:s9], $0x4000  }
0x67: {  	[sflag:s9] =	ssyncset.done $0x0  }
0x68: {  	s20 =	sadd.s32 $0x15700, s12;
	[sflag:s9] =	ssyncadd.s32 $0xFFFFC000  }
0x69: {  	[spmem:s4] =	stream.indirect.scatter.add.f32 [tilespmem:s31], [sflag:$0x4], $0x80, s20, s28, $0xb8;
	[tilespmem:$0x1ED80] =	vst v63  }
.Ltmp2:
0x6a: {  	(pc) =	sbr.rel @p0 .LBB2_7-.Ltmp2, $4  }
0x6b: {  	[spmem:s5] =	stream.indirect.scatter.add.f32 [tilespmem:s24], [sflag:$0x5], $0x1, s20, s28, $0xb8;
	[tilespmem:$0x1ED80] =	vst v63  }
0x6c: {  	_ =	swait.ge [sflag:s10], $0x4000  }
0x6d: {  	[sflag:s10] =	ssyncset.done $0x0  }
0x6e: {  	s20 =	sadd.s32 $0x14400, s12;
	[sflag:s10] =	ssyncadd.s32 $0xFFFFC000  }
0x6f: {  	[tilespmem:s31], [sflag:$0x2] =	stream.indirect.gather [hbm4b:s7+s28], $0x80, s20, s28, $0xb8;
	[tilespmem:$0x1ED80] =	vst v63  }
0x70: {  	_ =	swait.ge [sflag:s0], $0x4000  }
0x71: {  	[sflag:s0] =	ssyncset.done $0x0  }
0x72: {  	[sflag:s0] =	ssyncadd.s32 $0xFFFFC000  }
0x73: {  	[spmem:s4] =	stream.indirect.scatter.add.f32 [tilespmem:s29], [sflag:$0x3], $0x80, s14, s28, $0xb8;
	[tilespmem:$0x1ED80] =	vst v63  }
0x74: {  	s18 =	sadd.s32 $0x1, s18  }
0x75: {  	[spmem:s5] =	stream.indirect.scatter.add.f32 [tilespmem:s24], [sflag:$0x5], $0x1, s14, s28, $0xb8;
	[tilespmem:$0x1ED80] =	vst v63  }
0x76: {  	p0 =	sne.s32 s18, $0x4;
	_ =	swait.ge [sflag:s9], $0x4000  }
.Ltmp3:
0x77: {  	[sflag:s9] =	ssyncset.done $0x0;
	(pc) =	sbr.rel @p0 .LBB2_2-.Ltmp3, $4  }
0x78: {  	[sflag:s9] =	ssyncadd.s32 $0xFFFFC000  }
0x79: {  	[spmem:s4] =	stream.indirect.scatter.add.f32 [tilespmem:s31], [sflag:$0x4], $0x80, s15, s28, $0xb8;
	[tilespmem:$0x1ED80] =	vst v63  }
0x7a: {  	_ = 	snop  }
0x7b: {  	[spmem:s5] =	stream.indirect.scatter.add.f32 [tilespmem:s24], [sflag:$0x5], $0x1, s15, s28, $0xb8;
	[tilespmem:$0x1ED80] =	vst v63  }
0x7c: {  	_ =	swait.ge [sflag:s3], $0x4000  }
0x7d: {  	[sflag:s3] =	ssyncset.done $0x0  }
0x7e: {  	[sflag:s3] =	ssyncadd.s32 $0xFFFFC000  }
0x7f: {  	_ =	swait.ge [sflag:s10], $0x4000  }
0x80: {  	[sflag:s10] =	ssyncset.done $0x0  }
0x81: {  	[sflag:s10] =	ssyncadd.s32 $0xFFFFC000  }
0x82: {  	_ =	swait.ge [sflag:s16], $0x80  }
0x83: {  	s18 =	simm.s32 $0x27;
	[sflag:s16] =	ssyncset.done $0x0  }
.LBB2_10:
0x84: {  	p0 =	sne.s32 s18, $0x1;
	s18 =	sadd.s32 $0xFFFFFFFF, s18;
	[sflag:s16] =	ssyncadd.s32 $0xFFFFFF80  }
.Ltmp4:
0x85: {  	(pc) =	sbr.rel @p0 .LBB2_10-.Ltmp4, $3  }
0x86: {  	_ =	sdelay $0x1  }
0x87: {  	_ =	swait.ge [sflag:s16], $0x80  }
0x88: {  	[sflag:s16] =	ssyncset.done $0x0  }
0x89: {  	[sflag:s16] =	ssyncadd.s32 $0xFFFFFF80  }
0x8a: {  	[bflag:$0x0] =	sbarrier.arrive $0xFFFF  }
0x8b: {  	s12 =	rddreg [dreg:$0x8]  }
0x8c: {  	[hbm:s12], [sflag:s11] =	dma.local [spmem:s21], $0x2800  }
0x8d: {  	_ =	swait.ge [sflag:s22], $0x2800  }
0x8e: {  	[sflag:s22] =	ssyncset.done $0x0  }
0x8f: {  	s20 =	simm.s32 $0x1EB00;
	[sflag:s22] =	ssyncadd.s32 $0xFFFFD800  }
0x90: {  	[tilespmem:s20], [sflag:$0x6] =	stream.linear.gather [spmem:s23], $0x280, $0x38;
	[tilespmem:$0x1ED80] =	vst v63  }
0x91: {  	_ =	swait.ge [sflag:s22], $0x280  }
0x92: {  	[sflag:s22] =	ssyncset.done $0x0  }
0x93: {  	[sflag:s22] =	ssyncadd.s32 $0xFFFFFD80  }
0x94: {  	[tilespmem:s29], [sflag:$0x6] =	stream.linear.gather [hbm4b:s8+s6], $0x4000, $0x38;
	[tilespmem:$0x1ED80] =	vst v63  }
0x95: {  	_ =	swait.ge [sflag:s22], $0x4000  }
0x96: {  	[sflag:s22] =	ssyncset.done $0x0  }
0x97: {  	[sflag:s22] =	ssyncadd.s32 $0xFFFFC000  }
0x98: {  	v8 =	vld [tilespmem:$0x1EB00];
	_ =	sdelay $0x4  }
0x99: {  	[tilespmem:v0+s29+$0x0] =	vst.idx.msk $0xffff, v8  }
0x9a: {  	v8 =	vld [tilespmem:$0x1EB10];
	_ =	sdelay $0x4  }
0x9b: {  	[tilespmem:v1+s29+$0x0] =	vst.idx.msk $0xffff, v8  }
0x9c: {  	v8 =	vld [tilespmem:$0x1EB20];
	_ =	sdelay $0x4  }
0x9d: {  	[tilespmem:v2+s29+$0x0] =	vst.idx.msk $0xffff, v8  }
0x9e: {  	v8 =	vld [tilespmem:$0x1EB30];
	_ =	sdelay $0x4  }
0x9f: {  	[tilespmem:v3+s29+$0x0] =	vst.idx.msk $0xffff, v8  }
0xa0: {  	v8 =	vld [tilespmem:$0x1EB40];
	_ =	sdelay $0x4  }
0xa1: {  	[tilespmem:v4+s29+$0x0] =	vst.idx.msk $0xffff, v8  }
0xa2: {  	v8 =	vld [tilespmem:$0x1EB50];
	_ =	sdelay $0x4  }
0xa3: {  	[tilespmem:v5+s29+$0x0] =	vst.idx.msk $0xffff, v8  }
0xa4: {  	v8 =	vld [tilespmem:$0x1EB60];
	_ =	sdelay $0x4  }
0xa5: {  	[tilespmem:v6+s29+$0x0] =	vst.idx.msk $0xffff, v8  }
0xa6: {  	v8 =	vld [tilespmem:$0x1EB70];
	_ =	sdelay $0x4  }
0xa7: {  	s18 =	rddreg [dreg:$0x9];
	[tilespmem:v7+s29+$0x0] =	vst.idx.msk $0xffff, v8  }
0xa8: {  	[hbm4b:s18+s6] =	stream.linear.scatter [tilespmem:s29], [sflag:$0x6], $0x4000, $0x38;
	[tilespmem:$0x1ED80] =	vst v63  }
0xa9: {  	_ =	swait.ge [sflag:s22], $0x4000  }
0xaa: {  	[sflag:s22] =	ssyncset.done $0x0  }
0xab: {  	[sflag:s22] =	ssyncadd.s32 $0xFFFFC000  }
0xac: {  	v8 =	vld [tilespmem:$0x1EB80];
	_ =	sdelay $0x4  }
0xad: {  	[tilespmem:v0+s29+$0x0] =	vst.idx.msk $0xffff, v8  }
0xae: {  	v8 =	vld [tilespmem:$0x1EB90];
	_ =	sdelay $0x4  }
0xaf: {  	[tilespmem:v1+s29+$0x0] =	vst.idx.msk $0xffff, v8  }
0xb0: {  	v8 =	vld [tilespmem:$0x1EBA0];
	_ =	sdelay $0x4  }
0xb1: {  	[tilespmem:v2+s29+$0x0] =	vst.idx.msk $0xffff, v8  }
0xb2: {  	v8 =	vld [tilespmem:$0x1EBB0];
	_ =	sdelay $0x4  }
0xb3: {  	[tilespmem:v3+s29+$0x0] =	vst.idx.msk $0xffff, v8  }
0xb4: {  	v8 =	vld [tilespmem:$0x1EBC0];
	_ =	sdelay $0x4  }
0xb5: {  	[tilespmem:v4+s29+$0x0] =	vst.idx.msk $0xffff, v8  }
0xb6: {  	v8 =	vld [tilespmem:$0x1EBD0];
	_ =	sdelay $0x4  }
0xb7: {  	[tilespmem:v5+s29+$0x0] =	vst.idx.msk $0xffff, v8  }
0xb8: {  	v8 =	vld [tilespmem:$0x1EBE0];
	_ =	sdelay $0x4  }
0xb9: {  	[tilespmem:v6+s29+$0x0] =	vst.idx.msk $0xffff, v8  }
0xba: {  	v8 =	vld [tilespmem:$0x1EBF0];
	_ =	sdelay $0x4  }
0xbb: {  	s19 =	rddreg [dreg:$0xb];
	[tilespmem:v7+s29+$0x0] =	vst.idx.msk $0xffff, v8  }
0xbc: {  	[hbm4b:s19+s6] =	stream.linear.scatter [tilespmem:s29], [sflag:$0x6], $0x4000, $0x38;
	[tilespmem:$0x1ED80] =	vst v63  }
0xbd: {  	_ =	swait.ge [sflag:s22], $0x4000  }
0xbe: {  	[sflag:s22] =	ssyncset.done $0x0  }
0xbf: {  	[sflag:s22] =	ssyncadd.s32 $0xFFFFC000  }
0xc0: {  	v8 =	vld [tilespmem:$0x1EC00];
	_ =	sdelay $0x4  }
0xc1: {  	[tilespmem:v0+s29+$0x0] =	vst.idx.msk $0xffff, v8  }
0xc2: {  	v8 =	vld [tilespmem:$0x1EC10];
	_ =	sdelay $0x4  }
0xc3: {  	[tilespmem:v1+s29+$0x0] =	vst.idx.msk $0xffff, v8  }
0xc4: {  	v8 =	vld [tilespmem:$0x1EC20];
	_ =	sdelay $0x4  }
0xc5: {  	[tilespmem:v2+s29+$0x0] =	vst.idx.msk $0xffff, v8  }
0xc6: {  	v8 =	vld [tilespmem:$0x1EC30];
	_ =	sdelay $0x4  }
0xc7: {  	[tilespmem:v3+s29+$0x0] =	vst.idx.msk $0xffff, v8  }
0xc8: {  	v8 =	vld [tilespmem:$0x1EC40];
	_ =	sdelay $0x4  }
0xc9: {  	[tilespmem:v4+s29+$0x0] =	vst.idx.msk $0xffff, v8  }
0xca: {  	v8 =	vld [tilespmem:$0x1EC50];
	_ =	sdelay $0x4  }
0xcb: {  	[tilespmem:v5+s29+$0x0] =	vst.idx.msk $0xffff, v8  }
0xcc: {  	v8 =	vld [tilespmem:$0x1EC60];
	_ =	sdelay $0x4  }
0xcd: {  	[tilespmem:v6+s29+$0x0] =	vst.idx.msk $0xffff, v8  }
0xce: {  	v8 =	vld [tilespmem:$0x1EC70];
	_ =	sdelay $0x4  }
0xcf: {  	s20 =	rddreg [dreg:$0xc];
	[tilespmem:v7+s29+$0x0] =	vst.idx.msk $0xffff, v8  }
0xd0: {  	[hbm4b:s20+s6] =	stream.linear.scatter [tilespmem:s29], [sflag:$0x6], $0x4000, $0x38;
	[tilespmem:$0x1ED80] =	vst v63  }
0xd1: {  	_ =	swait.ge [sflag:s22], $0x4000  }
0xd2: {  	[sflag:s22] =	ssyncset.done $0x0  }
0xd3: {  	[sflag:s22] =	ssyncadd.s32 $0xFFFFC000  }
0xd4: {  	v8 =	vld [tilespmem:$0x1EC80];
	_ =	sdelay $0x4  }
0xd5: {  	[tilespmem:v0+s29+$0x0] =	vst.idx.msk $0xffff, v8  }
0xd6: {  	v8 =	vld [tilespmem:$0x1EC90];
	_ =	sdelay $0x4  }
0xd7: {  	[tilespmem:v1+s29+$0x0] =	vst.idx.msk $0xffff, v8  }
0xd8: {  	v8 =	vld [tilespmem:$0x1ECA0];
	_ =	sdelay $0x4  }
0xd9: {  	[tilespmem:v2+s29+$0x0] =	vst.idx.msk $0xffff, v8  }
0xda: {  	v8 =	vld [tilespmem:$0x1ECB0];
	_ =	sdelay $0x4  }
0xdb: {  	[tilespmem:v3+s29+$0x0] =	vst.idx.msk $0xffff, v8  }
0xdc: {  	v8 =	vld [tilespmem:$0x1ECC0];
	_ =	sdelay $0x4  }
0xdd: {  	[tilespmem:v4+s29+$0x0] =	vst.idx.msk $0xffff, v8  }
0xde: {  	v8 =	vld [tilespmem:$0x1ECD0];
	_ =	sdelay $0x4  }
0xdf: {  	[tilespmem:v5+s29+$0x0] =	vst.idx.msk $0xffff, v8  }
0xe0: {  	v8 =	vld [tilespmem:$0x1ECE0];
	_ =	sdelay $0x4  }
0xe1: {  	[tilespmem:v6+s29+$0x0] =	vst.idx.msk $0xffff, v8  }
0xe2: {  	v8 =	vld [tilespmem:$0x1ECF0];
	_ =	sdelay $0x4  }
0xe3: {  	s18 =	rddreg [dreg:$0xd];
	[tilespmem:v7+s29+$0x0] =	vst.idx.msk $0xffff, v8  }
0xe4: {  	[hbm4b:s18+s6] =	stream.linear.scatter [tilespmem:s29], [sflag:$0x6], $0x4000, $0x38;
	[tilespmem:$0x1ED80] =	vst v63  }
0xe5: {  	_ =	swait.ge [sflag:s22], $0x4000  }
0xe6: {  	[sflag:s22] =	ssyncset.done $0x0  }
0xe7: {  	[sflag:s22] =	ssyncadd.s32 $0xFFFFC000  }
0xe8: {  	v8 =	vld [tilespmem:$0x1ED00];
	_ =	sdelay $0x4  }
0xe9: {  	[tilespmem:v0+s29+$0x0] =	vst.idx.msk $0xffff, v8  }
0xea: {  	v8 =	vld [tilespmem:$0x1ED10];
	_ =	sdelay $0x4  }
0xeb: {  	[tilespmem:v1+s29+$0x0] =	vst.idx.msk $0xffff, v8  }
0xec: {  	v8 =	vld [tilespmem:$0x1ED20];
	_ =	sdelay $0x4  }
0xed: {  	[tilespmem:v2+s29+$0x0] =	vst.idx.msk $0xffff, v8  }
0xee: {  	v8 =	vld [tilespmem:$0x1ED30];
	_ =	sdelay $0x4  }
0xef: {  	[tilespmem:v3+s29+$0x0] =	vst.idx.msk $0xffff, v8  }
0xf0: {  	v8 =	vld [tilespmem:$0x1ED40];
	_ =	sdelay $0x4  }
0xf1: {  	[tilespmem:v4+s29+$0x0] =	vst.idx.msk $0xffff, v8  }
0xf2: {  	v8 =	vld [tilespmem:$0x1ED50];
	_ =	sdelay $0x4  }
0xf3: {  	[tilespmem:v5+s29+$0x0] =	vst.idx.msk $0xffff, v8  }
0xf4: {  	v8 =	vld [tilespmem:$0x1ED60];
	_ =	sdelay $0x4  }
0xf5: {  	[tilespmem:v6+s29+$0x0] =	vst.idx.msk $0xffff, v8  }
0xf6: {  	v8 =	vld [tilespmem:$0x1ED70];
	_ =	sdelay $0x4  }
0xf7: {  	s19 =	rddreg [dreg:$0xe];
	[tilespmem:v7+s29+$0x0] =	vst.idx.msk $0xffff, v8  }
0xf8: {  	[hbm4b:s19+s6] =	stream.linear.scatter [tilespmem:s29], [sflag:$0x6], $0x4000, $0x38;
	[tilespmem:$0x1ED80] =	vst v63  }
0xf9: {  	_ =	swait.ge [sflag:s22], $0x4000  }
0xfa: {  	s17 =	sadd.s32 $0x1, s17;
	s20 =	rddreg [dreg:$0xa]  }
0xfb: {  	p0 =	sne.s32 s17, s20  }
.Ltmp5:
0xfc: {  	_ = 	snop;
	(pc) =	sbr.rel @p0 .LBB2_1-.Ltmp5, $3  }
0xfd: {  	_ =	sdelay $0x1  }
0xfe: {  	[sflag:s22] =	ssyncset.done $0x0  }
0xff: {  	[sflag:s22] =	ssyncadd.s32 $0xFFFFC000  }
0x100: {  	_ =	sfence.sel $0x180000  }
0x101: {  	[bflag:$0x0] =	sbarrier.arrive $0xFFFF  }
0x102: {  	_ =	strace $0x90000047  }
0x103: {  	s0 =	stileid.u32;
	[bflag:$0x2] =	sbarrier.arrive $0xFFFF  }
0x104: {  	p0 =	sne.s32 s0, $0x0;
	s0 =	rddreg [dreg:$0x5]  }
0x105: {  	s0 =	sadd.s32 @!p0 $0x100000, s0  }
0x106: {  	[sflag:s0] =	ssyncadd.tile.s32 @!p0 $0x1;
	_ =	shalt  }
.Lfunc_end2:
_tile_overlayer_lowered:
.L_overlay_start_2:
0x107: {  	(tag) =	ssettag $0x2  }
0x108: {  	s0 =	rddreg [dreg:$0x0];
	s2 =	stileid.u32  }
0x109: {  	s1 =	rddreg [dreg:$0x1];
	p0 =	sne.s32 s2, $0x0  }
0x10a: {  	s3 =	rddreg [dreg:$0x2];
	[bflag:$0x3] =	sbarrier.arrive $0xFFFF;
	s2 =	simm.s32 @!p0 $0x1C06  }
0x10b: {  	[timem:s3], [sflag:s2] =	dma.local @!p0 [hbm:s0], s1  }
0x10c: {  	s0 =	simm.s32 @!p0 $0x6  }
0x10d: {  	_ =	swait.ge @!p0 [sflag:s0], s1  }
0x10e: {  	s1 =	ssub.s32 @!p0 $0x0, s1;
	[sflag:s0] =	ssyncset.done @!p0 $0x0  }
0x10f: {  	[sflag:s0] =	ssyncadd.s32 @!p0 s1  }
0x110: {  	[bflag:$0x3] =	sbarrier.arrive $0xFFFF  }
0x111: {  	_ =	shalt  }

</sc_bundles>
